<compile_context>
chip_gen: v7x
topology: tpu7x:2x2x1
jax: 0.10.2.dev20260603
libtpu: 0.0.44.dev20260713+nightly
codegen_flags: <defaults>
</compile_context>

<pallas_src>
import functools

import jax
import jax.numpy as jnp
from jax.experimental import pallas as pl
from jax.experimental.pallas import tpu as pltpu
from jax.experimental.pallas import tpu_sc as plsc

_TN = 26
_DIM = 64
_BETA = 0.5
_L = 50
_P = _L + 1
_BB = 64

_CHUNKS = ((0, 7, 8), (7, 15, 16), (15, 23, 24), (23, 31, 32),
           (31, 39, 40), (39, 47, 48), (47, 50, 51))


def _leaky(x):
    return jnp.where(x >= 0, x, 0.01 * x)


def _dot_t(x, w):
    return jax.lax.dot_general(x, w, (((x.ndim - 1,), (1,)), ((), ())),
                               preferred_element_type=jnp.float32)


def _sc_gather(table, idx):
    n = idx.shape[0]
    width = table.shape[1]
    info = plsc.get_sparse_core_info()
    nw = info.num_cores * info.num_subcores
    b_per_w = n // nw
    nhalf, nchunk = 2, 10
    ck = b_per_w // (nhalf * nchunk)
    half = b_per_w // nhalf
    idx3 = idx.reshape(nw, nhalf * nchunk, ck)
    mesh = plsc.VectorSubcoreMesh(core_axis_name="c", subcore_axis_name="s")

    @functools.partial(
        pl.kernel, mesh=mesh,
        out_type=jax.ShapeDtypeStruct((n, width), jnp.float32),
        scratch_types=[
            pltpu.VMEM((nhalf * nchunk, ck), jnp.int32),
            pltpu.VMEM((half, width), jnp.float32),
            pltpu.SemaphoreType.DMA,
        ],
    )
    def gather_k(table_hbm, idx_hbm, out_hbm, idx_v, rows_v, sem):
        wid = (jax.lax.axis_index("s") * info.num_cores
               + jax.lax.axis_index("c"))
        base = wid * b_per_w
        pltpu.sync_copy(idx_hbm.at[wid], idx_v)
        for h in range(nhalf):
            descs = [
                pltpu.async_copy(table_hbm.at[idx_v.at[h * nchunk + j]],
                                 rows_v.at[pl.ds(j * ck, ck), :], sem)
                for j in range(nchunk)
            ]
            for d in descs:
                d.wait()
            pltpu.sync_copy(rows_v, out_hbm.at[pl.ds(base + h * half, half)])

    return gather_k(table, idx3)


def _fwd_kernel(act_ref, time_ref, ge_ref, G_ref, C_ref, Temb_ref, W1_ref,
                b1_ref, W2_ref, b2_ref, Wct_ref, bct_ref, Wf_ref, bf_ref,
                Wt2_ref, bt2_ref, out_ref, ms_ref, rows_ref,
                bias_ref, cc_ref):
    f32 = jnp.float32
    Grelu = jax.nn.relu(G_ref[...])
    ccT = jax.nn.relu(C_ref[...])
    W1 = W1_ref[...]
    W1m = W1[:, :_DIM + 4]
    W1c = W1[:, _DIM + 4:2 * _DIM + 4]
    W1t = W1[:, 2 * _DIM + 4:]
    biasT = _dot_t(ccT, W1c) + _dot_t(Temb_ref[...], W1t) + b1_ref[...]
    W1mz = jnp.concatenate([W1m, jnp.ones((_DIM, _DIM + 4), f32)], axis=0)

    act3 = act_ref[...]
    oh26 = ((act3 - 1) == jax.lax.broadcasted_iota(
        jnp.int32, (_BB, _L, _TN), 2)).astype(f32)
    oh26f = oh26.reshape(_BB * _L, _TN)
    valid4 = (oh26f @ jnp.ones((_TN, 4), f32)).reshape(_BB, _L, 4)
    rows_ref[...] = jnp.concatenate(
        [ge_ref[:, :, :_DIM], time_ref[...] * valid4], axis=2)
    bias_ref[...] = (oh26f @ biasT).reshape(_BB, _L, 2 * _DIM)
    cc_ref[...] = (oh26f @ ccT).reshape(_BB, _L, _DIM)

    row0 = jnp.concatenate(
        [jnp.broadcast_to(Grelu[0:1, :], (_BB, _DIM)),
         jnp.zeros((_BB, 4), f32)], axis=1)
    ms_ref[...] = jnp.concatenate(
        [row0[:, None, :], jnp.zeros((_BB, _L, _DIM + 4), f32)], axis=1)

    W2 = W2_ref[...]
    b2 = b2_ref[...]

    def make_step(R):
        def step(i, carry):
            ms = ms_ref[:, :R, :]
            msf = ms.reshape(_BB * R, _DIM + 4)
            prez = _dot_t(msf, W1mz).reshape(_BB, R, 2 * _DIM + _DIM)
            zs = prez[:, :, 2 * _DIM:]
            h = _leaky(prez[:, :, :2 * _DIM] + bias_ref[:, i, :][:, None, :])
            ew = _dot_t(h.reshape(_BB * R, 2 * _DIM), W2).reshape(
                _BB, R, _DIM)
            ew = ew + b2[None, :, :]
            ew = jnp.where(zs == 0.0, -1e9, ew)
            m = jnp.max(ew, axis=1, keepdims=True)
            e = jnp.exp(ew - m)
            p = e / jnp.sum(e, axis=1, keepdims=True)
            consumed = p * cc_ref[:, i, :][:, None, :]
            cons68 = jnp.concatenate(
                [consumed, jnp.zeros((_BB, R, 4), f32)], axis=2)
            ms_ref[:, :R, :] = jax.nn.relu(ms - cons68)
            ms_ref[:, pl.ds(i + 1, 1), :] = rows_ref[:, pl.ds(i, 1), :]
            return carry
        return step

    for s0, s1, rows in _CHUNKS:
        jax.lax.fori_loop(s0, s1, make_step(rows), 0)

    ms = ms_ref[...]
    msf = ms.reshape(_BB * _P, _DIM + 4)
    zs3 = (msf @ jnp.ones((_DIM + 4, 2 * _DIM), f32)).reshape(
        _BB, _P, 2 * _DIM)
    zcount = jnp.sum((zs3 == 0.0).astype(f32), axis=1)
    qi = jax.lax.broadcasted_iota(jnp.int32, (_BB, _BB * _P), 1)
    bi = jax.lax.broadcasted_iota(jnp.int32, (_BB, _BB * _P), 0)
    A = ((qi // _P) == bi).astype(f32)
    Wf = Wf_ref[...]
    bf = bf_ref[0, 0]

    def tbody(t, acc):
        bct_row = bct_ref[pl.ds(t, 1), :]
        ctf = _leaky(_dot_t(msf, Wct_ref[t]) + bct_row)
        s = (A @ ctf[:, :2 * _DIM]
             - zcount * _leaky(bct_row[:, :2 * _DIM]))
        r = jax.nn.sigmoid(jnp.sum(s * Wf, axis=1, keepdims=True) + bf)
        r = jnp.maximum(r, 1e-5)
        W2pad = jnp.concatenate(
            [Wt2_ref[t], jnp.zeros((7, 2 * _DIM), f32)], axis=0)
        tpad = _dot_t(ctf[:, 2 * _DIM:], W2pad)
        tc3 = tpad.reshape(_BB, _P, 8)[:, :, 0:1]
        ts = jnp.max(tc3, axis=1) + bt2_ref[t, 0]
        col = r * ts - _BETA * jnp.exp(r)
        ohrow = (jax.lax.broadcasted_iota(jnp.int32, (1, _TN), 1)
                 == t).astype(f32)
        return acc + jax.lax.dot_general(
            col, ohrow, (((1,), (0,)), ((), ())),
            preferred_element_type=f32)

    out_ref[...] = jax.lax.fori_loop(
        0, _TN, tbody, jnp.zeros((_BB, _TN), f32))


def kernel(batch_data, G, C, Temb, W1, b1, W2, b2, Wc, bc, Wf, bf, Wt1, bt1,
           Wt2, bt2):
    B = batch_data.shape[0]
    act3 = batch_data[:, 0, :, None].astype(jnp.int32)
    time_seq = jnp.transpose(batch_data[:, 1:, :], (0, 2, 1))
    Gtab0 = jnp.pad(jax.nn.relu(G).at[0].set(0.0),
                    ((0, 0), (0, _DIM)))
    ge_all = _sc_gather(Gtab0, act3.reshape(B * _L)).reshape(B, _L, 2 * _DIM)
    b1r = b1.reshape(1, 2 * _DIM)
    b2r = b2.reshape(1, _DIM)
    bfr = bf.reshape(1, 1)
    Wct = jnp.concatenate([Wc, Wt1], axis=1)
    bct = jnp.concatenate([bc, bt1], axis=1)

    nb = B // _BB
    full = lambda *shape: pl.BlockSpec(shape, lambda j: (0,) * len(shape))
    in_specs = [
        pl.BlockSpec((_BB, _L, 1), lambda j: (j, 0, 0)),
        pl.BlockSpec((_BB, _L, 4), lambda j: (j, 0, 0)),
        pl.BlockSpec((_BB, _L, 2 * _DIM), lambda j: (j, 0, 0)),
        full(_TN + 1, _DIM),
        full(_TN, _DIM),
        full(_TN, 4),
        full(2 * _DIM, 2 * (_DIM + 4)),
        full(1, 2 * _DIM),
        full(_DIM, 2 * _DIM),
        full(1, _DIM),
        full(_TN, 4 * _DIM, _DIM + 4),
        full(_TN, 4 * _DIM),
        full(1, 2 * _DIM),
        pl.BlockSpec(memory_space=pltpu.SMEM),
        full(_TN, 1, 2 * _DIM),
        pl.BlockSpec(memory_space=pltpu.SMEM),
    ]
    return pl.pallas_call(
        _fwd_kernel,
        grid=(nb,),
        in_specs=in_specs,
        out_specs=pl.BlockSpec((_BB, _TN), lambda j: (j, 0)),
        out_shape=jax.ShapeDtypeStruct((B, _TN), jnp.float32),
        scratch_shapes=[
            pltpu.VMEM((_BB, _P, _DIM + 4), jnp.float32),
            pltpu.VMEM((_BB, _L, _DIM + 4), jnp.float32),
            pltpu.VMEM((_BB, _L, 2 * _DIM), jnp.float32),
            pltpu.VMEM((_BB, _L, _DIM), jnp.float32),
        ],
    )(act3, time_seq, ge_all, G, C, Temb, W1, b1r, W2, b2r, Wct, bct, Wf,
      bfr, Wt2, bt2)

# --- scband reference (transcript-rebuilt; emitter-appended) ---
"""Pipeline reference for scband-transition-place-embedding-model-77979426226636 (READ-ONLY COPY).

The authoritative reference and input builder live on the scoring server;
editing this copy changes nothing except your own understanding.
"""

import jax, jax.numpy as jnp
import numpy as np

TN = 26
DIM = 64
BETA = 0.5
B = 1024
L = 50

def _leaky(x):
    return jnp.where(x >= 0, x, 0.01 * x)

def setup_inputs(seed: int = 0):
    key = jax.random.key(seed)
    ks = jax.random.split(key, 18)
    def lin(k, fan_in, shape):
        bound = 1.0 / np.sqrt(fan_in)
        return jax.random.uniform(k, shape, jnp.float32, -bound, bound)
    batch_data = jax.random.randint(ks[0], (B, 5, L), 0, TN + 1).astype(jnp.float32)
    G = jax.random.normal(ks[1], (TN + 1, DIM), jnp.float32)
    C = jax.random.normal(ks[2], (TN, DIM), jnp.float32)
    Temb = jax.random.normal(ks[3], (TN, 4), jnp.float32)
    in1 = 2 * (DIM + 4)
    W1 = lin(ks[4], in1, (2 * DIM, in1)); b1 = lin(ks[5], in1, (2 * DIM,))
    W2 = lin(ks[6], 2 * DIM, (DIM, 2 * DIM)); b2 = lin(ks[7], 2 * DIM, (DIM,))
    Wc = lin(ks[8], DIM + 4, (TN, 2 * DIM, DIM + 4)); bc = lin(ks[9], DIM + 4, (TN, 2 * DIM))
    Wf = lin(ks[10], 2 * DIM, (1, 2 * DIM)); bf = lin(ks[11], 2 * DIM, (1,))
    Wt1 = lin(ks[12], DIM + 4, (TN, 2 * DIM, DIM + 4)); bt1 = lin(ks[13], DIM + 4, (TN, 2 * DIM))
    Wt2 = lin(ks[14], 2 * DIM, (TN, 1, 2 * DIM)); bt2 = lin(ks[15], 2 * DIM, (TN, 1))
    return {"batch_data": batch_data, "G": G, "C": C, "Temb": Temb, "W1": W1, "b1": b1, "W2": W2, "b2": b2, "Wc": Wc, "bc": bc, "Wf": Wf, "bf": bf, "Wt1": Wt1, "bt1": bt1, "Wt2": Wt2, "bt2": bt2}

def _place_consume(ms, gen, C, Temb, W1, b1, W2, b2):
    tseq = gen - 1
    cc = jax.nn.relu(C[tseq])
    ct = Temb[tseq]
    Bp, Lp1, _ = ms.shape
    cc_e = jnp.broadcast_to(cc[:, None, :], (Bp, Lp1, DIM))
    ct_e = jnp.broadcast_to(ct[:, None, :], (Bp, Lp1, 4))
    concat = jnp.concatenate([ms, cc_e, ct_e], axis=2)
    h = _leaky(concat @ W1.T + b1)
    ew = h @ W2.T + b2
    mask = jnp.all(ms == 0, axis=2)
    ew = jnp.where(mask[:, :, None], -1e9, ew)
    ew = jax.nn.softmax(ew, axis=1)
    return ew * cc[:, None, :]

def _forward(batch_data, G, C, Temb, W1, b1, W2, b2, Wc, bc, Wf, bf, Wt1, bt1, Wt2, bt2):
    act = batch_data[:, 0, :].astype(jnp.int32)
    time_seq = batch_data[:, 1:, :]
    Bn = batch_data.shape[0]
    Ln = batch_data.shape[2]
    marking = jnp.zeros((Bn, Ln + 1, DIM + 4), jnp.float32)
    marking = marking.at[:, 0, :DIM].set(jax.nn.relu(G[0]))
    for i in range(Ln):
        gen = act[:, i]
        valid = (gen != 0) & (gen != TN + 1)
        gen_emb = jnp.concatenate([jax.nn.relu(G[gen]), time_seq[:, :, i]], axis=1)
        consumed = _place_consume(marking, gen, C, Temb, W1, b1, W2, b2)
        new_front = jax.nn.relu(marking[:, :, :DIM] - consumed)
        front = jnp.where(valid[:, None, None], new_front, marking[:, :, :DIM])
        marking = marking.at[:, :, :DIM].set(front)
        row = jnp.where(valid[:, None], gen_emb, marking[:, i + 1])
        marking = marking.at[:, i + 1].set(row)
    mask = jnp.all(marking == 0, axis=2)
    cols = []
    for t in range(TN):
        cond = _leaky(marking @ Wc[t].T + bc[t])
        cond = jnp.where(mask[:, :, None], 0.0, cond)
        resource = jax.nn.sigmoid(cond.sum(axis=1) @ Wf.T + bf)[:, 0]
        resource = jnp.maximum(resource, 1e-5)
        tc = (_leaky(marking @ Wt1[t].T + bt1[t]) @ Wt2[t].T + bt2[t])[:, :, 0]
        time_score = jnp.max(tc, axis=1)
        cols.append(resource * time_score - BETA * jnp.exp(resource))
    return jnp.stack(cols, axis=1)

def reference(batch_data, G, C, Temb, W1, b1, W2, b2, Wc, bc, Wf, bf, Wt1, bt1, Wt2, bt2):
    return _forward(batch_data, G, C, Temb, W1, b1, W2, b2, Wc, bc, Wf, bf, Wt1, bt1, Wt2, bt2)

if __name__ == "__main__":
    import jax
    _d = setup_inputs()
    print(jax.jit(kernel)(*tuple(_d.values())))

</pallas_src>

<mosaic_0001>
#map = affine_map<(d0, d1) -> (0, 0)>
#map1 = affine_map<(d0, d1) -> (0, 0, 0)>
module attributes {stable_mosaic.version = 14 : i64} {
  func.func @gather_k(%arg0: i32, %arg1: i32, %arg2: memref<27x128xf32, #tpu.memory_space<hbm>>, %arg3: memref<32x20x80xi32, #tpu.memory_space<hbm>>, %arg4: memref<51200x128xf32, #tpu.memory_space<hbm>>, %arg5: memref<20x80xi32, #tpu.memory_space<vmem>>, %arg6: memref<800x128xf32, #tpu.memory_space<vmem>>, %arg7: memref<!tpu.dma_semaphore, #tpu.memory_space<semaphore_mem>>) attributes {dimension_semantics = [#tpu.dimension_semantics<core_parallel>, #tpu.dimension_semantics<subcore_parallel>], iteration_bounds = array<i64: 2, 16>, scalar_prefetch = 0 : i64, scratch_operands = 3 : i64, tpu.core_type = #tpu.core_type<sc_vector_subcore>, window_params = [{transform_indices = #map}, {transform_indices = #map1}, {transform_indices = #map}]} {
    %mul3A = arith.constant 2 : i32
    %mul3A_0 = arith.muli %arg1, %mul3A : i32
    %add3A = arith.addi %mul3A_0, %arg0 : i32
    %mul3A_1 = arith.constant 1600 : i32
    %mul3A_2 = arith.muli %add3A, %mul3A_1 : i32
    "tpu.region"() ({
      %run_scoped3A = tpu.sem_alloc : memref<!tpu.dma_semaphore, #tpu.memory_space<semaphore_mem>>
      %dma_start3A_405 = arith.constant 0 : i32
      %dma_start3A_406 = arith.constant 0 : i32
      %dma_start3A_407 = tpu.memref_slice %arg3[%add3A, %dma_start3A_405, %dma_start3A_406] : memref<32x20x80xi32, #tpu.memory_space<hbm>> -> memref<1x20x80xi32, #tpu.memory_space<hbm>>
      %dma_start3A_408 = tpu.memref_squeeze %dma_start3A_407 : memref<1x20x80xi32, #tpu.memory_space<hbm>> -> memref<20x80xi32, #tpu.memory_space<hbm>>
      %dma_start3A_409 = arith.constant 0 : i32
      %dma_start3A_410 = arith.constant 0 : i32
      %dma_start3A_411 = tpu.memref_slice %arg3[%add3A, %dma_start3A_409, %dma_start3A_410] : memref<32x20x80xi32, #tpu.memory_space<hbm>> -> memref<1x20x80xi32, #tpu.memory_space<hbm>>
      %dma_start3A_412 = tpu.memref_squeeze %dma_start3A_411 : memref<1x20x80xi32, #tpu.memory_space<hbm>> -> memref<20x80xi32, #tpu.memory_space<hbm>>
      tpu.enqueue_dma source(%dma_start3A_412 : memref<20x80xi32, #tpu.memory_space<hbm>>) target(%arg5 : memref<20x80xi32, #tpu.memory_space<vmem>>) target_semaphore(%run_scoped3A : memref<!tpu.dma_semaphore, #tpu.memory_space<semaphore_mem>>)
      %dma_wait3A_413 = arith.constant 0 : i32
      %dma_wait3A_414 = arith.constant 0 : i32
      %dma_wait3A_415 = tpu.memref_slice %arg3[%add3A, %dma_wait3A_413, %dma_wait3A_414] : memref<32x20x80xi32, #tpu.memory_space<hbm>> -> memref<1x20x80xi32, #tpu.memory_space<hbm>>
      %dma_wait3A_416 = tpu.memref_squeeze %dma_wait3A_415 : memref<1x20x80xi32, #tpu.memory_space<hbm>> -> memref<20x80xi32, #tpu.memory_space<hbm>>
      %dma_wait3A_417 = arith.constant 0 : i32
      %dma_wait3A_418 = arith.constant 0 : i32
      %dma_wait3A_419 = tpu.memref_slice %arg3[%add3A, %dma_wait3A_417, %dma_wait3A_418] : memref<32x20x80xi32, #tpu.memory_space<hbm>> -> memref<1x20x80xi32, #tpu.memory_space<hbm>>
      %dma_wait3A_420 = tpu.memref_squeeze %dma_wait3A_419 : memref<1x20x80xi32, #tpu.memory_space<hbm>> -> memref<20x80xi32, #tpu.memory_space<hbm>>
      tpu.wait_dma2 semaphore(%run_scoped3A : memref<!tpu.dma_semaphore, #tpu.memory_space<semaphore_mem>>) src(%dma_wait3A_420 : memref<20x80xi32, #tpu.memory_space<hbm>>) dst(%arg5 : memref<20x80xi32, #tpu.memory_space<vmem>>)
      tpu.yield
    }) : () -> ()
    %dma_start3A = arith.constant 0 : i32
    %dma_start3A_3 = arith.constant 0 : i32
    %dma_start3A_4 = arith.constant 0 : i32
    %dma_start3A_5 = tpu.memref_slice %arg6[%dma_start3A_3, %dma_start3A_4] : memref<800x128xf32, #tpu.memory_space<vmem>> -> memref<80x128xf32, #tpu.memory_space<vmem>>
    %dma_start3A_6 = arith.constant 0 : i32
    %dma_start3A_7 = tpu.memref_slice %arg5[%dma_start3A, %dma_start3A_6] : memref<20x80xi32, #tpu.memory_space<vmem>> -> memref<1x80xi32, #tpu.memory_space<vmem>>
    %dma_start3A_8 = tpu.memref_squeeze %dma_start3A_7 : memref<1x80xi32, #tpu.memory_space<vmem>> -> memref<80xi32, #tpu.memory_space<vmem>>
    %dma_start3A_9 = arith.constant 0 : i32
    %dma_start3A_10 = arith.constant 0 : i32
    %dma_start3A_11 = tpu.memref_slice %arg2[%dma_start3A_9, %dma_start3A_10] : memref<27x128xf32, #tpu.memory_space<hbm>> -> memref<27x128xf32, #tpu.memory_space<hbm>>
    tpu.enqueue_indirect_dma source(%dma_start3A_11 : memref<27x128xf32, #tpu.memory_space<hbm>>) target(%dma_start3A_5 : memref<80x128xf32, #tpu.memory_space<vmem>>) offsets(%dma_start3A_8 : memref<80xi32, #tpu.memory_space<vmem>>) semaphore(%arg7 : memref<!tpu.dma_semaphore, #tpu.memory_space<semaphore_mem>>)
    %dma_start3A_12 = arith.constant 1 : i32
    %dma_start3A_13 = arith.constant 80 : i32
    %dma_start3A_14 = arith.constant 0 : i32
    %dma_start3A_15 = tpu.memref_slice %arg6[%dma_start3A_13, %dma_start3A_14] : memref<800x128xf32, #tpu.memory_space<vmem>> -> memref<80x128xf32, #tpu.memory_space<vmem>>
    %dma_start3A_16 = arith.constant 0 : i32
    %dma_start3A_17 = tpu.memref_slice %arg5[%dma_start3A_12, %dma_start3A_16] : memref<20x80xi32, #tpu.memory_space<vmem>> -> memref<1x80xi32, #tpu.memory_space<vmem>>
    %dma_start3A_18 = tpu.memref_squeeze %dma_start3A_17 : memref<1x80xi32, #tpu.memory_space<vmem>> -> memref<80xi32, #tpu.memory_space<vmem>>
    %dma_start3A_19 = arith.constant 0 : i32
    %dma_start3A_20 = arith.constant 0 : i32
    %dma_start3A_21 = tpu.memref_slice %arg2[%dma_start3A_19, %dma_start3A_20] : memref<27x128xf32, #tpu.memory_space<hbm>> -> memref<27x128xf32, #tpu.memory_space<hbm>>
    tpu.enqueue_indirect_dma source(%dma_start3A_21 : memref<27x128xf32, #tpu.memory_space<hbm>>) target(%dma_start3A_15 : memref<80x128xf32, #tpu.memory_space<vmem>>) offsets(%dma_start3A_18 : memref<80xi32, #tpu.memory_space<vmem>>) semaphore(%arg7 : memref<!tpu.dma_semaphore, #tpu.memory_space<semaphore_mem>>)
    %dma_start3A_22 = arith.constant 2 : i32
    %dma_start3A_23 = arith.constant 160 : i32
    %dma_start3A_24 = arith.constant 0 : i32
    %dma_start3A_25 = tpu.memref_slice %arg6[%dma_start3A_23, %dma_start3A_24] : memref<800x128xf32, #tpu.memory_space<vmem>> -> memref<80x128xf32, #tpu.memory_space<vmem>>
    %dma_start3A_26 = arith.constant 0 : i32
    %dma_start3A_27 = tpu.memref_slice %arg5[%dma_start3A_22, %dma_start3A_26] : memref<20x80xi32, #tpu.memory_space<vmem>> -> memref<1x80xi32, #tpu.memory_space<vmem>>
    %dma_start3A_28 = tpu.memref_squeeze %dma_start3A_27 : memref<1x80xi32, #tpu.memory_space<vmem>> -> memref<80xi32, #tpu.memory_space<vmem>>
    %dma_start3A_29 = arith.constant 0 : i32
    %dma_start3A_30 = arith.constant 0 : i32
    %dma_start3A_31 = tpu.memref_slice %arg2[%dma_start3A_29, %dma_start3A_30] : memref<27x128xf32, #tpu.memory_space<hbm>> -> memref<27x128xf32, #tpu.memory_space<hbm>>
    tpu.enqueue_indirect_dma source(%dma_start3A_31 : memref<27x128xf32, #tpu.memory_space<hbm>>) target(%dma_start3A_25 : memref<80x128xf32, #tpu.memory_space<vmem>>) offsets(%dma_start3A_28 : memref<80xi32, #tpu.memory_space<vmem>>) semaphore(%arg7 : memref<!tpu.dma_semaphore, #tpu.memory_space<semaphore_mem>>)
    %dma_start3A_32 = arith.constant 3 : i32
    %dma_start3A_33 = arith.constant 240 : i32
    %dma_start3A_34 = arith.constant 0 : i32
    %dma_start3A_35 = tpu.memref_slice %arg6[%dma_start3A_33, %dma_start3A_34] : memref<800x128xf32, #tpu.memory_space<vmem>> -> memref<80x128xf32, #tpu.memory_space<vmem>>
    %dma_start3A_36 = arith.constant 0 : i32
    %dma_start3A_37 = tpu.memref_slice %arg5[%dma_start3A_32, %dma_start3A_36] : memref<20x80xi32, #tpu.memory_space<vmem>> -> memref<1x80xi32, #tpu.memory_space<vmem>>
    %dma_start3A_38 = tpu.memref_squeeze %dma_start3A_37 : memref<1x80xi32, #tpu.memory_space<vmem>> -> memref<80xi32, #tpu.memory_space<vmem>>
    %dma_start3A_39 = arith.constant 0 : i32
    %dma_start3A_40 = arith.constant 0 : i32
    %dma_start3A_41 = tpu.memref_slice %arg2[%dma_start3A_39, %dma_start3A_40] : memref<27x128xf32, #tpu.memory_space<hbm>> -> memref<27x128xf32, #tpu.memory_space<hbm>>
    tpu.enqueue_indirect_dma source(%dma_start3A_41 : memref<27x128xf32, #tpu.memory_space<hbm>>) target(%dma_start3A_35 : memref<80x128xf32, #tpu.memory_space<vmem>>) offsets(%dma_start3A_38 : memref<80xi32, #tpu.memory_space<vmem>>) semaphore(%arg7 : memref<!tpu.dma_semaphore, #tpu.memory_space<semaphore_mem>>)
    %dma_start3A_42 = arith.constant 4 : i32
    %dma_start3A_43 = arith.constant 320 : i32
    %dma_start3A_44 = arith.constant 0 : i32
    %dma_start3A_45 = tpu.memref_slice %arg6[%dma_start3A_43, %dma_start3A_44] : memref<800x128xf32, #tpu.memory_space<vmem>> -> memref<80x128xf32, #tpu.memory_space<vmem>>
    %dma_start3A_46 = arith.constant 0 : i32
    %dma_start3A_47 = tpu.memref_slice %arg5[%dma_start3A_42, %dma_start3A_46] : memref<20x80xi32, #tpu.memory_space<vmem>> -> memref<1x80xi32, #tpu.memory_space<vmem>>
    %dma_start3A_48 = tpu.memref_squeeze %dma_start3A_47 : memref<1x80xi32, #tpu.memory_space<vmem>> -> memref<80xi32, #tpu.memory_space<vmem>>
    %dma_start3A_49 = arith.constant 0 : i32
    %dma_start3A_50 = arith.constant 0 : i32
    %dma_start3A_51 = tpu.memref_slice %arg2[%dma_start3A_49, %dma_start3A_50] : memref<27x128xf32, #tpu.memory_space<hbm>> -> memref<27x128xf32, #tpu.memory_space<hbm>>
    tpu.enqueue_indirect_dma source(%dma_start3A_51 : memref<27x128xf32, #tpu.memory_space<hbm>>) target(%dma_start3A_45 : memref<80x128xf32, #tpu.memory_space<vmem>>) offsets(%dma_start3A_48 : memref<80xi32, #tpu.memory_space<vmem>>) semaphore(%arg7 : memref<!tpu.dma_semaphore, #tpu.memory_space<semaphore_mem>>)
    %dma_start3A_52 = arith.constant 5 : i32
    %dma_start3A_53 = arith.constant 400 : i32
    %dma_start3A_54 = arith.constant 0 : i32
    %dma_start3A_55 = tpu.memref_slice %arg6[%dma_start3A_53, %dma_start3A_54] : memref<800x128xf32, #tpu.memory_space<vmem>> -> memref<80x128xf32, #tpu.memory_space<vmem>>
    %dma_start3A_56 = arith.constant 0 : i32
    %dma_start3A_57 = tpu.memref_slice %arg5[%dma_start3A_52, %dma_start3A_56] : memref<20x80xi32, #tpu.memory_space<vmem>> -> memref<1x80xi32, #tpu.memory_space<vmem>>
    %dma_start3A_58 = tpu.memref_squeeze %dma_start3A_57 : memref<1x80xi32, #tpu.memory_space<vmem>> -> memref<80xi32, #tpu.memory_space<vmem>>
    %dma_start3A_59 = arith.constant 0 : i32
    %dma_start3A_60 = arith.constant 0 : i32
    %dma_start3A_61 = tpu.memref_slice %arg2[%dma_start3A_59, %dma_start3A_60] : memref<27x128xf32, #tpu.memory_space<hbm>> -> memref<27x128xf32, #tpu.memory_space<hbm>>
    tpu.enqueue_indirect_dma source(%dma_start3A_61 : memref<27x128xf32, #tpu.memory_space<hbm>>) target(%dma_start3A_55 : memref<80x128xf32, #tpu.memory_space<vmem>>) offsets(%dma_start3A_58 : memref<80xi32, #tpu.memory_space<vmem>>) semaphore(%arg7 : memref<!tpu.dma_semaphore, #tpu.memory_space<semaphore_mem>>)
    %dma_start3A_62 = arith.constant 6 : i32
    %dma_start3A_63 = arith.constant 480 : i32
    %dma_start3A_64 = arith.constant 0 : i32
    %dma_start3A_65 = tpu.memref_slice %arg6[%dma_start3A_63, %dma_start3A_64] : memref<800x128xf32, #tpu.memory_space<vmem>> -> memref<80x128xf32, #tpu.memory_space<vmem>>
    %dma_start3A_66 = arith.constant 0 : i32
    %dma_start3A_67 = tpu.memref_slice %arg5[%dma_start3A_62, %dma_start3A_66] : memref<20x80xi32, #tpu.memory_space<vmem>> -> memref<1x80xi32, #tpu.memory_space<vmem>>
    %dma_start3A_68 = tpu.memref_squeeze %dma_start3A_67 : memref<1x80xi32, #tpu.memory_space<vmem>> -> memref<80xi32, #tpu.memory_space<vmem>>
    %dma_start3A_69 = arith.constant 0 : i32
    %dma_start3A_70 = arith.constant 0 : i32
    %dma_start3A_71 = tpu.memref_slice %arg2[%dma_start3A_69, %dma_start3A_70] : memref<27x128xf32, #tpu.memory_space<hbm>> -> memref<27x128xf32, #tpu.memory_space<hbm>>
    tpu.enqueue_indirect_dma source(%dma_start3A_71 : memref<27x128xf32, #tpu.memory_space<hbm>>) target(%dma_start3A_65 : memref<80x128xf32, #tpu.memory_space<vmem>>) offsets(%dma_start3A_68 : memref<80xi32, #tpu.memory_space<vmem>>) semaphore(%arg7 : memref<!tpu.dma_semaphore, #tpu.memory_space<semaphore_mem>>)
    %dma_start3A_72 = arith.constant 7 : i32
    %dma_start3A_73 = arith.constant 560 : i32
    %dma_start3A_74 = arith.constant 0 : i32
    %dma_start3A_75 = tpu.memref_slice %arg6[%dma_start3A_73, %dma_start3A_74] : memref<800x128xf32, #tpu.memory_space<vmem>> -> memref<80x128xf32, #tpu.memory_space<vmem>>
    %dma_start3A_76 = arith.constant 0 : i32
    %dma_start3A_77 = tpu.memref_slice %arg5[%dma_start3A_72, %dma_start3A_76] : memref<20x80xi32, #tpu.memory_space<vmem>> -> memref<1x80xi32, #tpu.memory_space<vmem>>
    %dma_start3A_78 = tpu.memref_squeeze %dma_start3A_77 : memref<1x80xi32, #tpu.memory_space<vmem>> -> memref<80xi32, #tpu.memory_space<vmem>>
    %dma_start3A_79 = arith.constant 0 : i32
    %dma_start3A_80 = arith.constant 0 : i32
    %dma_start3A_81 = tpu.memref_slice %arg2[%dma_start3A_79, %dma_start3A_80] : memref<27x128xf32, #tpu.memory_space<hbm>> -> memref<27x128xf32, #tpu.memory_space<hbm>>
    tpu.enqueue_indirect_dma source(%dma_start3A_81 : memref<27x128xf32, #tpu.memory_space<hbm>>) target(%dma_start3A_75 : memref<80x128xf32, #tpu.memory_space<vmem>>) offsets(%dma_start3A_78 : memref<80xi32, #tpu.memory_space<vmem>>) semaphore(%arg7 : memref<!tpu.dma_semaphore, #tpu.memory_space<semaphore_mem>>)
    %dma_start3A_82 = arith.constant 8 : i32
    %dma_start3A_83 = arith.constant 640 : i32
    %dma_start3A_84 = arith.constant 0 : i32
    %dma_start3A_85 = tpu.memref_slice %arg6[%dma_start3A_83, %dma_start3A_84] : memref<800x128xf32, #tpu.memory_space<vmem>> -> memref<80x128xf32, #tpu.memory_space<vmem>>
    %dma_start3A_86 = arith.constant 0 : i32
    %dma_start3A_87 = tpu.memref_slice %arg5[%dma_start3A_82, %dma_start3A_86] : memref<20x80xi32, #tpu.memory_space<vmem>> -> memref<1x80xi32, #tpu.memory_space<vmem>>
    %dma_start3A_88 = tpu.memref_squeeze %dma_start3A_87 : memref<1x80xi32, #tpu.memory_space<vmem>> -> memref<80xi32, #tpu.memory_space<vmem>>
    %dma_start3A_89 = arith.constant 0 : i32
    %dma_start3A_90 = arith.constant 0 : i32
    %dma_start3A_91 = tpu.memref_slice %arg2[%dma_start3A_89, %dma_start3A_90] : memref<27x128xf32, #tpu.memory_space<hbm>> -> memref<27x128xf32, #tpu.memory_space<hbm>>
    tpu.enqueue_indirect_dma source(%dma_start3A_91 : memref<27x128xf32, #tpu.memory_space<hbm>>) target(%dma_start3A_85 : memref<80x128xf32, #tpu.memory_space<vmem>>) offsets(%dma_start3A_88 : memref<80xi32, #tpu.memory_space<vmem>>) semaphore(%arg7 : memref<!tpu.dma_semaphore, #tpu.memory_space<semaphore_mem>>)
    %dma_start3A_92 = arith.constant 9 : i32
    %dma_start3A_93 = arith.constant 720 : i32
    %dma_start3A_94 = arith.constant 0 : i32
    %dma_start3A_95 = tpu.memref_slice %arg6[%dma_start3A_93, %dma_start3A_94] : memref<800x128xf32, #tpu.memory_space<vmem>> -> memref<80x128xf32, #tpu.memory_space<vmem>>
    %dma_start3A_96 = arith.constant 0 : i32
    %dma_start3A_97 = tpu.memref_slice %arg5[%dma_start3A_92, %dma_start3A_96] : memref<20x80xi32, #tpu.memory_space<vmem>> -> memref<1x80xi32, #tpu.memory_space<vmem>>
    %dma_start3A_98 = tpu.memref_squeeze %dma_start3A_97 : memref<1x80xi32, #tpu.memory_space<vmem>> -> memref<80xi32, #tpu.memory_space<vmem>>
    %dma_start3A_99 = arith.constant 0 : i32
    %dma_start3A_100 = arith.constant 0 : i32
    %dma_start3A_101 = tpu.memref_slice %arg2[%dma_start3A_99, %dma_start3A_100] : memref<27x128xf32, #tpu.memory_space<hbm>> -> memref<27x128xf32, #tpu.memory_space<hbm>>
    tpu.enqueue_indirect_dma source(%dma_start3A_101 : memref<27x128xf32, #tpu.memory_space<hbm>>) target(%dma_start3A_95 : memref<80x128xf32, #tpu.memory_space<vmem>>) offsets(%dma_start3A_98 : memref<80xi32, #tpu.memory_space<vmem>>) semaphore(%arg7 : memref<!tpu.dma_semaphore, #tpu.memory_space<semaphore_mem>>)
    %dma_wait3A = arith.constant 0 : i32
    %dma_wait3A_102 = arith.constant 0 : i32
    %dma_wait3A_103 = arith.constant 0 : i32
    %dma_wait3A_104 = tpu.memref_slice %arg6[%dma_wait3A_102, %dma_wait3A_103] : memref<800x128xf32, #tpu.memory_space<vmem>> -> memref<80x128xf32, #tpu.memory_space<vmem>>
    %dma_wait3A_105 = arith.constant 0 : i32
    %dma_wait3A_106 = tpu.memref_slice %arg5[%dma_wait3A, %dma_wait3A_105] : memref<20x80xi32, #tpu.memory_space<vmem>> -> memref<1x80xi32, #tpu.memory_space<vmem>>
    %dma_wait3A_107 = tpu.memref_squeeze %dma_wait3A_106 : memref<1x80xi32, #tpu.memory_space<vmem>> -> memref<80xi32, #tpu.memory_space<vmem>>
    %dma_wait3A_108 = arith.constant 0 : i32
    %dma_wait3A_109 = arith.constant 0 : i32
    %dma_wait3A_110 = tpu.memref_slice %arg2[%dma_wait3A_108, %dma_wait3A_109] : memref<27x128xf32, #tpu.memory_space<hbm>> -> memref<27x128xf32, #tpu.memory_space<hbm>>
    tpu.wait_indirect_dma semaphore(%arg7 : memref<!tpu.dma_semaphore, #tpu.memory_space<semaphore_mem>>) src(%dma_wait3A_110 : memref<27x128xf32, #tpu.memory_space<hbm>>) dst(%dma_wait3A_104 : memref<80x128xf32, #tpu.memory_space<vmem>>)
    %dma_wait3A_111 = arith.constant 1 : i32
    %dma_wait3A_112 = arith.constant 80 : i32
    %dma_wait3A_113 = arith.constant 0 : i32
    %dma_wait3A_114 = tpu.memref_slice %arg6[%dma_wait3A_112, %dma_wait3A_113] : memref<800x128xf32, #tpu.memory_space<vmem>> -> memref<80x128xf32, #tpu.memory_space<vmem>>
    %dma_wait3A_115 = arith.constant 0 : i32
    %dma_wait3A_116 = tpu.memref_slice %arg5[%dma_wait3A_111, %dma_wait3A_115] : memref<20x80xi32, #tpu.memory_space<vmem>> -> memref<1x80xi32, #tpu.memory_space<vmem>>
    %dma_wait3A_117 = tpu.memref_squeeze %dma_wait3A_116 : memref<1x80xi32, #tpu.memory_space<vmem>> -> memref<80xi32, #tpu.memory_space<vmem>>
    %dma_wait3A_118 = arith.constant 0 : i32
    %dma_wait3A_119 = arith.constant 0 : i32
    %dma_wait3A_120 = tpu.memref_slice %arg2[%dma_wait3A_118, %dma_wait3A_119] : memref<27x128xf32, #tpu.memory_space<hbm>> -> memref<27x128xf32, #tpu.memory_space<hbm>>
    tpu.wait_indirect_dma semaphore(%arg7 : memref<!tpu.dma_semaphore, #tpu.memory_space<semaphore_mem>>) src(%dma_wait3A_120 : memref<27x128xf32, #tpu.memory_space<hbm>>) dst(%dma_wait3A_114 : memref<80x128xf32, #tpu.memory_space<vmem>>)
    %dma_wait3A_121 = arith.constant 2 : i32
    %dma_wait3A_122 = arith.constant 160 : i32
    %dma_wait3A_123 = arith.constant 0 : i32
    %dma_wait3A_124 = tpu.memref_slice %arg6[%dma_wait3A_122, %dma_wait3A_123] : memref<800x128xf32, #tpu.memory_space<vmem>> -> memref<80x128xf32, #tpu.memory_space<vmem>>
    %dma_wait3A_125 = arith.constant 0 : i32
    %dma_wait3A_126 = tpu.memref_slice %arg5[%dma_wait3A_121, %dma_wait3A_125] : memref<20x80xi32, #tpu.memory_space<vmem>> -> memref<1x80xi32, #tpu.memory_space<vmem>>
    %dma_wait3A_127 = tpu.memref_squeeze %dma_wait3A_126 : memref<1x80xi32, #tpu.memory_space<vmem>> -> memref<80xi32, #tpu.memory_space<vmem>>
    %dma_wait3A_128 = arith.constant 0 : i32
    %dma_wait3A_129 = arith.constant 0 : i32
    %dma_wait3A_130 = tpu.memref_slice %arg2[%dma_wait3A_128, %dma_wait3A_129] : memref<27x128xf32, #tpu.memory_space<hbm>> -> memref<27x128xf32, #tpu.memory_space<hbm>>
    tpu.wait_indirect_dma semaphore(%arg7 : memref<!tpu.dma_semaphore, #tpu.memory_space<semaphore_mem>>) src(%dma_wait3A_130 : memref<27x128xf32, #tpu.memory_space<hbm>>) dst(%dma_wait3A_124 : memref<80x128xf32, #tpu.memory_space<vmem>>)
    %dma_wait3A_131 = arith.constant 3 : i32
    %dma_wait3A_132 = arith.constant 240 : i32
    %dma_wait3A_133 = arith.constant 0 : i32
    %dma_wait3A_134 = tpu.memref_slice %arg6[%dma_wait3A_132, %dma_wait3A_133] : memref<800x128xf32, #tpu.memory_space<vmem>> -> memref<80x128xf32, #tpu.memory_space<vmem>>
    %dma_wait3A_135 = arith.constant 0 : i32
    %dma_wait3A_136 = tpu.memref_slice %arg5[%dma_wait3A_131, %dma_wait3A_135] : memref<20x80xi32, #tpu.memory_space<vmem>> -> memref<1x80xi32, #tpu.memory_space<vmem>>
    %dma_wait3A_137 = tpu.memref_squeeze %dma_wait3A_136 : memref<1x80xi32, #tpu.memory_space<vmem>> -> memref<80xi32, #tpu.memory_space<vmem>>
    %dma_wait3A_138 = arith.constant 0 : i32
    %dma_wait3A_139 = arith.constant 0 : i32
    %dma_wait3A_140 = tpu.memref_slice %arg2[%dma_wait3A_138, %dma_wait3A_139] : memref<27x128xf32, #tpu.memory_space<hbm>> -> memref<27x128xf32, #tpu.memory_space<hbm>>
    tpu.wait_indirect_dma semaphore(%arg7 : memref<!tpu.dma_semaphore, #tpu.memory_space<semaphore_mem>>) src(%dma_wait3A_140 : memref<27x128xf32, #tpu.memory_space<hbm>>) dst(%dma_wait3A_134 : memref<80x128xf32, #tpu.memory_space<vmem>>)
    %dma_wait3A_141 = arith.constant 4 : i32
    %dma_wait3A_142 = arith.constant 320 : i32
    %dma_wait3A_143 = arith.constant 0 : i32
    %dma_wait3A_144 = tpu.memref_slice %arg6[%dma_wait3A_142, %dma_wait3A_143] : memref<800x128xf32, #tpu.memory_space<vmem>> -> memref<80x128xf32, #tpu.memory_space<vmem>>
    %dma_wait3A_145 = arith.constant 0 : i32
    %dma_wait3A_146 = tpu.memref_slice %arg5[%dma_wait3A_141, %dma_wait3A_145] : memref<20x80xi32, #tpu.memory_space<vmem>> -> memref<1x80xi32, #tpu.memory_space<vmem>>
    %dma_wait3A_147 = tpu.memref_squeeze %dma_wait3A_146 : memref<1x80xi32, #tpu.memory_space<vmem>> -> memref<80xi32, #tpu.memory_space<vmem>>
    %dma_wait3A_148 = arith.constant 0 : i32
    %dma_wait3A_149 = arith.constant 0 : i32
    %dma_wait3A_150 = tpu.memref_slice %arg2[%dma_wait3A_148, %dma_wait3A_149] : memref<27x128xf32, #tpu.memory_space<hbm>> -> memref<27x128xf32, #tpu.memory_space<hbm>>
    tpu.wait_indirect_dma semaphore(%arg7 : memref<!tpu.dma_semaphore, #tpu.memory_space<semaphore_mem>>) src(%dma_wait3A_150 : memref<27x128xf32, #tpu.memory_space<hbm>>) dst(%dma_wait3A_144 : memref<80x128xf32, #tpu.memory_space<vmem>>)
    %dma_wait3A_151 = arith.constant 5 : i32
    %dma_wait3A_152 = arith.constant 400 : i32
    %dma_wait3A_153 = arith.constant 0 : i32
    %dma_wait3A_154 = tpu.memref_slice %arg6[%dma_wait3A_152, %dma_wait3A_153] : memref<800x128xf32, #tpu.memory_space<vmem>> -> memref<80x128xf32, #tpu.memory_space<vmem>>
    %dma_wait3A_155 = arith.constant 0 : i32
    %dma_wait3A_156 = tpu.memref_slice %arg5[%dma_wait3A_151, %dma_wait3A_155] : memref<20x80xi32, #tpu.memory_space<vmem>> -> memref<1x80xi32, #tpu.memory_space<vmem>>
    %dma_wait3A_157 = tpu.memref_squeeze %dma_wait3A_156 : memref<1x80xi32, #tpu.memory_space<vmem>> -> memref<80xi32, #tpu.memory_space<vmem>>
    %dma_wait3A_158 = arith.constant 0 : i32
    %dma_wait3A_159 = arith.constant 0 : i32
    %dma_wait3A_160 = tpu.memref_slice %arg2[%dma_wait3A_158, %dma_wait3A_159] : memref<27x128xf32, #tpu.memory_space<hbm>> -> memref<27x128xf32, #tpu.memory_space<hbm>>
    tpu.wait_indirect_dma semaphore(%arg7 : memref<!tpu.dma_semaphore, #tpu.memory_space<semaphore_mem>>) src(%dma_wait3A_160 : memref<27x128xf32, #tpu.memory_space<hbm>>) dst(%dma_wait3A_154 : memref<80x128xf32, #tpu.memory_space<vmem>>)
    %dma_wait3A_161 = arith.constant 6 : i32
    %dma_wait3A_162 = arith.constant 480 : i32
    %dma_wait3A_163 = arith.constant 0 : i32
    %dma_wait3A_164 = tpu.memref_slice %arg6[%dma_wait3A_162, %dma_wait3A_163] : memref<800x128xf32, #tpu.memory_space<vmem>> -> memref<80x128xf32, #tpu.memory_space<vmem>>
    %dma_wait3A_165 = arith.constant 0 : i32
    %dma_wait3A_166 = tpu.memref_slice %arg5[%dma_wait3A_161, %dma_wait3A_165] : memref<20x80xi32, #tpu.memory_space<vmem>> -> memref<1x80xi32, #tpu.memory_space<vmem>>
    %dma_wait3A_167 = tpu.memref_squeeze %dma_wait3A_166 : memref<1x80xi32, #tpu.memory_space<vmem>> -> memref<80xi32, #tpu.memory_space<vmem>>
    %dma_wait3A_168 = arith.constant 0 : i32
    %dma_wait3A_169 = arith.constant 0 : i32
    %dma_wait3A_170 = tpu.memref_slice %arg2[%dma_wait3A_168, %dma_wait3A_169] : memref<27x128xf32, #tpu.memory_space<hbm>> -> memref<27x128xf32, #tpu.memory_space<hbm>>
    tpu.wait_indirect_dma semaphore(%arg7 : memref<!tpu.dma_semaphore, #tpu.memory_space<semaphore_mem>>) src(%dma_wait3A_170 : memref<27x128xf32, #tpu.memory_space<hbm>>) dst(%dma_wait3A_164 : memref<80x128xf32, #tpu.memory_space<vmem>>)
    %dma_wait3A_171 = arith.constant 7 : i32
    %dma_wait3A_172 = arith.constant 560 : i32
    %dma_wait3A_173 = arith.constant 0 : i32
    %dma_wait3A_174 = tpu.memref_slice %arg6[%dma_wait3A_172, %dma_wait3A_173] : memref<800x128xf32, #tpu.memory_space<vmem>> -> memref<80x128xf32, #tpu.memory_space<vmem>>
    %dma_wait3A_175 = arith.constant 0 : i32
    %dma_wait3A_176 = tpu.memref_slice %arg5[%dma_wait3A_171, %dma_wait3A_175] : memref<20x80xi32, #tpu.memory_space<vmem>> -> memref<1x80xi32, #tpu.memory_space<vmem>>
    %dma_wait3A_177 = tpu.memref_squeeze %dma_wait3A_176 : memref<1x80xi32, #tpu.memory_space<vmem>> -> memref<80xi32, #tpu.memory_space<vmem>>
    %dma_wait3A_178 = arith.constant 0 : i32
    %dma_wait3A_179 = arith.constant 0 : i32
    %dma_wait3A_180 = tpu.memref_slice %arg2[%dma_wait3A_178, %dma_wait3A_179] : memref<27x128xf32, #tpu.memory_space<hbm>> -> memref<27x128xf32, #tpu.memory_space<hbm>>
    tpu.wait_indirect_dma semaphore(%arg7 : memref<!tpu.dma_semaphore, #tpu.memory_space<semaphore_mem>>) src(%dma_wait3A_180 : memref<27x128xf32, #tpu.memory_space<hbm>>) dst(%dma_wait3A_174 : memref<80x128xf32, #tpu.memory_space<vmem>>)
    %dma_wait3A_181 = arith.constant 8 : i32
    %dma_wait3A_182 = arith.constant 640 : i32
    %dma_wait3A_183 = arith.constant 0 : i32
    %dma_wait3A_184 = tpu.memref_slice %arg6[%dma_wait3A_182, %dma_wait3A_183] : memref<800x128xf32, #tpu.memory_space<vmem>> -> memref<80x128xf32, #tpu.memory_space<vmem>>
    %dma_wait3A_185 = arith.constant 0 : i32
    %dma_wait3A_186 = tpu.memref_slice %arg5[%dma_wait3A_181, %dma_wait3A_185] : memref<20x80xi32, #tpu.memory_space<vmem>> -> memref<1x80xi32, #tpu.memory_space<vmem>>
    %dma_wait3A_187 = tpu.memref_squeeze %dma_wait3A_186 : memref<1x80xi32, #tpu.memory_space<vmem>> -> memref<80xi32, #tpu.memory_space<vmem>>
    %dma_wait3A_188 = arith.constant 0 : i32
    %dma_wait3A_189 = arith.constant 0 : i32
    %dma_wait3A_190 = tpu.memref_slice %arg2[%dma_wait3A_188, %dma_wait3A_189] : memref<27x128xf32, #tpu.memory_space<hbm>> -> memref<27x128xf32, #tpu.memory_space<hbm>>
    tpu.wait_indirect_dma semaphore(%arg7 : memref<!tpu.dma_semaphore, #tpu.memory_space<semaphore_mem>>) src(%dma_wait3A_190 : memref<27x128xf32, #tpu.memory_space<hbm>>) dst(%dma_wait3A_184 : memref<80x128xf32, #tpu.memory_space<vmem>>)
    %dma_wait3A_191 = arith.constant 9 : i32
    %dma_wait3A_192 = arith.constant 720 : i32
    %dma_wait3A_193 = arith.constant 0 : i32
    %dma_wait3A_194 = tpu.memref_slice %arg6[%dma_wait3A_192, %dma_wait3A_193] : memref<800x128xf32, #tpu.memory_space<vmem>> -> memref<80x128xf32, #tpu.memory_space<vmem>>
    %dma_wait3A_195 = arith.constant 0 : i32
    %dma_wait3A_196 = tpu.memref_slice %arg5[%dma_wait3A_191, %dma_wait3A_195] : memref<20x80xi32, #tpu.memory_space<vmem>> -> memref<1x80xi32, #tpu.memory_space<vmem>>
    %dma_wait3A_197 = tpu.memref_squeeze %dma_wait3A_196 : memref<1x80xi32, #tpu.memory_space<vmem>> -> memref<80xi32, #tpu.memory_space<vmem>>
    %dma_wait3A_198 = arith.constant 0 : i32
    %dma_wait3A_199 = arith.constant 0 : i32
    %dma_wait3A_200 = tpu.memref_slice %arg2[%dma_wait3A_198, %dma_wait3A_199] : memref<27x128xf32, #tpu.memory_space<hbm>> -> memref<27x128xf32, #tpu.memory_space<hbm>>
    tpu.wait_indirect_dma semaphore(%arg7 : memref<!tpu.dma_semaphore, #tpu.memory_space<semaphore_mem>>) src(%dma_wait3A_200 : memref<27x128xf32, #tpu.memory_space<hbm>>) dst(%dma_wait3A_194 : memref<80x128xf32, #tpu.memory_space<vmem>>)
    %add3A_201 = arith.constant 0 : i32
    %add3A_202 = arith.addi %mul3A_2, %add3A_201 : i32
    "tpu.region"() ({
      %run_scoped3A = tpu.sem_alloc : memref<!tpu.dma_semaphore, #tpu.memory_space<semaphore_mem>>
      %dma_start3A_405 = arith.constant 0 : i32
      %dma_start3A_406 = tpu.memref_slice %arg4[%add3A_202, %dma_start3A_405] : memref<51200x128xf32, #tpu.memory_space<hbm>> -> memref<800x128xf32, #tpu.memory_space<hbm>>
      %dma_start3A_407 = arith.constant 0 : i32
      %dma_start3A_408 = tpu.memref_slice %arg4[%add3A_202, %dma_start3A_407] : memref<51200x128xf32, #tpu.memory_space<hbm>> -> memref<800x128xf32, #tpu.memory_space<hbm>>
      tpu.enqueue_dma source(%arg6 : memref<800x128xf32, #tpu.memory_space<vmem>>) target(%dma_start3A_408 : memref<800x128xf32, #tpu.memory_space<hbm>>) target_semaphore(%run_scoped3A : memref<!tpu.dma_semaphore, #tpu.memory_space<semaphore_mem>>)
      %dma_wait3A_409 = arith.constant 0 : i32
      %dma_wait3A_410 = tpu.memref_slice %arg4[%add3A_202, %dma_wait3A_409] : memref<51200x128xf32, #tpu.memory_space<hbm>> -> memref<800x128xf32, #tpu.memory_space<hbm>>
      %dma_wait3A_411 = arith.constant 0 : i32
      %dma_wait3A_412 = tpu.memref_slice %arg4[%add3A_202, %dma_wait3A_411] : memref<51200x128xf32, #tpu.memory_space<hbm>> -> memref<800x128xf32, #tpu.memory_space<hbm>>
      tpu.wait_dma2 semaphore(%run_scoped3A : memref<!tpu.dma_semaphore, #tpu.memory_space<semaphore_mem>>) src(%arg6 : memref<800x128xf32, #tpu.memory_space<vmem>>) dst(%dma_wait3A_412 : memref<800x128xf32, #tpu.memory_space<hbm>>)
      tpu.yield
    }) : () -> ()
    %dma_start3A_203 = arith.constant 10 : i32
    %dma_start3A_204 = arith.constant 0 : i32
    %dma_start3A_205 = arith.constant 0 : i32
    %dma_start3A_206 = tpu.memref_slice %arg6[%dma_start3A_204, %dma_start3A_205] : memref<800x128xf32, #tpu.memory_space<vmem>> -> memref<80x128xf32, #tpu.memory_space<vmem>>
    %dma_start3A_207 = arith.constant 0 : i32
    %dma_start3A_208 = tpu.memref_slice %arg5[%dma_start3A_203, %dma_start3A_207] : memref<20x80xi32, #tpu.memory_space<vmem>> -> memref<1x80xi32, #tpu.memory_space<vmem>>
    %dma_start3A_209 = tpu.memref_squeeze %dma_start3A_208 : memref<1x80xi32, #tpu.memory_space<vmem>> -> memref<80xi32, #tpu.memory_space<vmem>>
    %dma_start3A_210 = arith.constant 0 : i32
    %dma_start3A_211 = arith.constant 0 : i32
    %dma_start3A_212 = tpu.memref_slice %arg2[%dma_start3A_210, %dma_start3A_211] : memref<27x128xf32, #tpu.memory_space<hbm>> -> memref<27x128xf32, #tpu.memory_space<hbm>>
    tpu.enqueue_indirect_dma source(%dma_start3A_212 : memref<27x128xf32, #tpu.memory_space<hbm>>) target(%dma_start3A_206 : memref<80x128xf32, #tpu.memory_space<vmem>>) offsets(%dma_start3A_209 : memref<80xi32, #tpu.memory_space<vmem>>) semaphore(%arg7 : memref<!tpu.dma_semaphore, #tpu.memory_space<semaphore_mem>>)
    %dma_start3A_213 = arith.constant 11 : i32
    %dma_start3A_214 = arith.constant 80 : i32
    %dma_start3A_215 = arith.constant 0 : i32
    %dma_start3A_216 = tpu.memref_slice %arg6[%dma_start3A_214, %dma_start3A_215] : memref<800x128xf32, #tpu.memory_space<vmem>> -> memref<80x128xf32, #tpu.memory_space<vmem>>
    %dma_start3A_217 = arith.constant 0 : i32
    %dma_start3A_218 = tpu.memref_slice %arg5[%dma_start3A_213, %dma_start3A_217] : memref<20x80xi32, #tpu.memory_space<vmem>> -> memref<1x80xi32, #tpu.memory_space<vmem>>
    %dma_start3A_219 = tpu.memref_squeeze %dma_start3A_218 : memref<1x80xi32, #tpu.memory_space<vmem>> -> memref<80xi32, #tpu.memory_space<vmem>>
    %dma_start3A_220 = arith.constant 0 : i32
    %dma_start3A_221 = arith.constant 0 : i32
    %dma_start3A_222 = tpu.memref_slice %arg2[%dma_start3A_220, %dma_start3A_221] : memref<27x128xf32, #tpu.memory_space<hbm>> -> memref<27x128xf32, #tpu.memory_space<hbm>>
    tpu.enqueue_indirect_dma source(%dma_start3A_222 : memref<27x128xf32, #tpu.memory_space<hbm>>) target(%dma_start3A_216 : memref<80x128xf32, #tpu.memory_space<vmem>>) offsets(%dma_start3A_219 : memref<80xi32, #tpu.memory_space<vmem>>) semaphore(%arg7 : memref<!tpu.dma_semaphore, #tpu.memory_space<semaphore_mem>>)
    %dma_start3A_223 = arith.constant 12 : i32
    %dma_start3A_224 = arith.constant 160 : i32
    %dma_start3A_225 = arith.constant 0 : i32
    %dma_start3A_226 = tpu.memref_slice %arg6[%dma_start3A_224, %dma_start3A_225] : memref<800x128xf32, #tpu.memory_space<vmem>> -> memref<80x128xf32, #tpu.memory_space<vmem>>
    %dma_start3A_227 = arith.constant 0 : i32
    %dma_start3A_228 = tpu.memref_slice %arg5[%dma_start3A_223, %dma_start3A_227] : memref<20x80xi32, #tpu.memory_space<vmem>> -> memref<1x80xi32, #tpu.memory_space<vmem>>
    %dma_start3A_229 = tpu.memref_squeeze %dma_start3A_228 : memref<1x80xi32, #tpu.memory_space<vmem>> -> memref<80xi32, #tpu.memory_space<vmem>>
    %dma_start3A_230 = arith.constant 0 : i32
    %dma_start3A_231 = arith.constant 0 : i32
    %dma_start3A_232 = tpu.memref_slice %arg2[%dma_start3A_230, %dma_start3A_231] : memref<27x128xf32, #tpu.memory_space<hbm>> -> memref<27x128xf32, #tpu.memory_space<hbm>>
    tpu.enqueue_indirect_dma source(%dma_start3A_232 : memref<27x128xf32, #tpu.memory_space<hbm>>) target(%dma_start3A_226 : memref<80x128xf32, #tpu.memory_space<vmem>>) offsets(%dma_start3A_229 : memref<80xi32, #tpu.memory_space<vmem>>) semaphore(%arg7 : memref<!tpu.dma_semaphore, #tpu.memory_space<semaphore_mem>>)
    %dma_start3A_233 = arith.constant 13 : i32
    %dma_start3A_234 = arith.constant 240 : i32
    %dma_start3A_235 = arith.constant 0 : i32
    %dma_start3A_236 = tpu.memref_slice %arg6[%dma_start3A_234, %dma_start3A_235] : memref<800x128xf32, #tpu.memory_space<vmem>> -> memref<80x128xf32, #tpu.memory_space<vmem>>
    %dma_start3A_237 = arith.constant 0 : i32
    %dma_start3A_238 = tpu.memref_slice %arg5[%dma_start3A_233, %dma_start3A_237] : memref<20x80xi32, #tpu.memory_space<vmem>> -> memref<1x80xi32, #tpu.memory_space<vmem>>
    %dma_start3A_239 = tpu.memref_squeeze %dma_start3A_238 : memref<1x80xi32, #tpu.memory_space<vmem>> -> memref<80xi32, #tpu.memory_space<vmem>>
    %dma_start3A_240 = arith.constant 0 : i32
    %dma_start3A_241 = arith.constant 0 : i32
    %dma_start3A_242 = tpu.memref_slice %arg2[%dma_start3A_240, %dma_start3A_241] : memref<27x128xf32, #tpu.memory_space<hbm>> -> memref<27x128xf32, #tpu.memory_space<hbm>>
    tpu.enqueue_indirect_dma source(%dma_start3A_242 : memref<27x128xf32, #tpu.memory_space<hbm>>) target(%dma_start3A_236 : memref<80x128xf32, #tpu.memory_space<vmem>>) offsets(%dma_start3A_239 : memref<80xi32, #tpu.memory_space<vmem>>) semaphore(%arg7 : memref<!tpu.dma_semaphore, #tpu.memory_space<semaphore_mem>>)
    %dma_start3A_243 = arith.constant 14 : i32
    %dma_start3A_244 = arith.constant 320 : i32
    %dma_start3A_245 = arith.constant 0 : i32
    %dma_start3A_246 = tpu.memref_slice %arg6[%dma_start3A_244, %dma_start3A_245] : memref<800x128xf32, #tpu.memory_space<vmem>> -> memref<80x128xf32, #tpu.memory_space<vmem>>
    %dma_start3A_247 = arith.constant 0 : i32
    %dma_start3A_248 = tpu.memref_slice %arg5[%dma_start3A_243, %dma_start3A_247] : memref<20x80xi32, #tpu.memory_space<vmem>> -> memref<1x80xi32, #tpu.memory_space<vmem>>
    %dma_start3A_249 = tpu.memref_squeeze %dma_start3A_248 : memref<1x80xi32, #tpu.memory_space<vmem>> -> memref<80xi32, #tpu.memory_space<vmem>>
    %dma_start3A_250 = arith.constant 0 : i32
    %dma_start3A_251 = arith.constant 0 : i32
    %dma_start3A_252 = tpu.memref_slice %arg2[%dma_start3A_250, %dma_start3A_251] : memref<27x128xf32, #tpu.memory_space<hbm>> -> memref<27x128xf32, #tpu.memory_space<hbm>>
    tpu.enqueue_indirect_dma source(%dma_start3A_252 : memref<27x128xf32, #tpu.memory_space<hbm>>) target(%dma_start3A_246 : memref<80x128xf32, #tpu.memory_space<vmem>>) offsets(%dma_start3A_249 : memref<80xi32, #tpu.memory_space<vmem>>) semaphore(%arg7 : memref<!tpu.dma_semaphore, #tpu.memory_space<semaphore_mem>>)
    %dma_start3A_253 = arith.constant 15 : i32
    %dma_start3A_254 = arith.constant 400 : i32
    %dma_start3A_255 = arith.constant 0 : i32
    %dma_start3A_256 = tpu.memref_slice %arg6[%dma_start3A_254, %dma_start3A_255] : memref<800x128xf32, #tpu.memory_space<vmem>> -> memref<80x128xf32, #tpu.memory_space<vmem>>
    %dma_start3A_257 = arith.constant 0 : i32
    %dma_start3A_258 = tpu.memref_slice %arg5[%dma_start3A_253, %dma_start3A_257] : memref<20x80xi32, #tpu.memory_space<vmem>> -> memref<1x80xi32, #tpu.memory_space<vmem>>
    %dma_start3A_259 = tpu.memref_squeeze %dma_start3A_258 : memref<1x80xi32, #tpu.memory_space<vmem>> -> memref<80xi32, #tpu.memory_space<vmem>>
    %dma_start3A_260 = arith.constant 0 : i32
    %dma_start3A_261 = arith.constant 0 : i32
    %dma_start3A_262 = tpu.memref_slice %arg2[%dma_start3A_260, %dma_start3A_261] : memref<27x128xf32, #tpu.memory_space<hbm>> -> memref<27x128xf32, #tpu.memory_space<hbm>>
    tpu.enqueue_indirect_dma source(%dma_start3A_262 : memref<27x128xf32, #tpu.memory_space<hbm>>) target(%dma_start3A_256 : memref<80x128xf32, #tpu.memory_space<vmem>>) offsets(%dma_start3A_259 : memref<80xi32, #tpu.memory_space<vmem>>) semaphore(%arg7 : memref<!tpu.dma_semaphore, #tpu.memory_space<semaphore_mem>>)
    %dma_start3A_263 = arith.constant 16 : i32
    %dma_start3A_264 = arith.constant 480 : i32
    %dma_start3A_265 = arith.constant 0 : i32
    %dma_start3A_266 = tpu.memref_slice %arg6[%dma_start3A_264, %dma_start3A_265] : memref<800x128xf32, #tpu.memory_space<vmem>> -> memref<80x128xf32, #tpu.memory_space<vmem>>
    %dma_start3A_267 = arith.constant 0 : i32
    %dma_start3A_268 = tpu.memref_slice %arg5[%dma_start3A_263, %dma_start3A_267] : memref<20x80xi32, #tpu.memory_space<vmem>> -> memref<1x80xi32, #tpu.memory_space<vmem>>
    %dma_start3A_269 = tpu.memref_squeeze %dma_start3A_268 : memref<1x80xi32, #tpu.memory_space<vmem>> -> memref<80xi32, #tpu.memory_space<vmem>>
    %dma_start3A_270 = arith.constant 0 : i32
    %dma_start3A_271 = arith.constant 0 : i32
    %dma_start3A_272 = tpu.memref_slice %arg2[%dma_start3A_270, %dma_start3A_271] : memref<27x128xf32, #tpu.memory_space<hbm>> -> memref<27x128xf32, #tpu.memory_space<hbm>>
    tpu.enqueue_indirect_dma source(%dma_start3A_272 : memref<27x128xf32, #tpu.memory_space<hbm>>) target(%dma_start3A_266 : memref<80x128xf32, #tpu.memory_space<vmem>>) offsets(%dma_start3A_269 : memref<80xi32, #tpu.memory_space<vmem>>) semaphore(%arg7 : memref<!tpu.dma_semaphore, #tpu.memory_space<semaphore_mem>>)
    %dma_start3A_273 = arith.constant 17 : i32
    %dma_start3A_274 = arith.constant 560 : i32
    %dma_start3A_275 = arith.constant 0 : i32
    %dma_start3A_276 = tpu.memref_slice %arg6[%dma_start3A_274, %dma_start3A_275] : memref<800x128xf32, #tpu.memory_space<vmem>> -> memref<80x128xf32, #tpu.memory_space<vmem>>
    %dma_start3A_277 = arith.constant 0 : i32
    %dma_start3A_278 = tpu.memref_slice %arg5[%dma_start3A_273, %dma_start3A_277] : memref<20x80xi32, #tpu.memory_space<vmem>> -> memref<1x80xi32, #tpu.memory_space<vmem>>
    %dma_start3A_279 = tpu.memref_squeeze %dma_start3A_278 : memref<1x80xi32, #tpu.memory_space<vmem>> -> memref<80xi32, #tpu.memory_space<vmem>>
    %dma_start3A_280 = arith.constant 0 : i32
    %dma_start3A_281 = arith.constant 0 : i32
    %dma_start3A_282 = tpu.memref_slice %arg2[%dma_start3A_280, %dma_start3A_281] : memref<27x128xf32, #tpu.memory_space<hbm>> -> memref<27x128xf32, #tpu.memory_space<hbm>>
    tpu.enqueue_indirect_dma source(%dma_start3A_282 : memref<27x128xf32, #tpu.memory_space<hbm>>) target(%dma_start3A_276 : memref<80x128xf32, #tpu.memory_space<vmem>>) offsets(%dma_start3A_279 : memref<80xi32, #tpu.memory_space<vmem>>) semaphore(%arg7 : memref<!tpu.dma_semaphore, #tpu.memory_space<semaphore_mem>>)
    %dma_start3A_283 = arith.constant 18 : i32
    %dma_start3A_284 = arith.constant 640 : i32
    %dma_start3A_285 = arith.constant 0 : i32
    %dma_start3A_286 = tpu.memref_slice %arg6[%dma_start3A_284, %dma_start3A_285] : memref<800x128xf32, #tpu.memory_space<vmem>> -> memref<80x128xf32, #tpu.memory_space<vmem>>
    %dma_start3A_287 = arith.constant 0 : i32
    %dma_start3A_288 = tpu.memref_slice %arg5[%dma_start3A_283, %dma_start3A_287] : memref<20x80xi32, #tpu.memory_space<vmem>> -> memref<1x80xi32, #tpu.memory_space<vmem>>
    %dma_start3A_289 = tpu.memref_squeeze %dma_start3A_288 : memref<1x80xi32, #tpu.memory_space<vmem>> -> memref<80xi32, #tpu.memory_space<vmem>>
    %dma_start3A_290 = arith.constant 0 : i32
    %dma_start3A_291 = arith.constant 0 : i32
    %dma_start3A_292 = tpu.memref_slice %arg2[%dma_start3A_290, %dma_start3A_291] : memref<27x128xf32, #tpu.memory_space<hbm>> -> memref<27x128xf32, #tpu.memory_space<hbm>>
    tpu.enqueue_indirect_dma source(%dma_start3A_292 : memref<27x128xf32, #tpu.memory_space<hbm>>) target(%dma_start3A_286 : memref<80x128xf32, #tpu.memory_space<vmem>>) offsets(%dma_start3A_289 : memref<80xi32, #tpu.memory_space<vmem>>) semaphore(%arg7 : memref<!tpu.dma_semaphore, #tpu.memory_space<semaphore_mem>>)
    %dma_start3A_293 = arith.constant 19 : i32
    %dma_start3A_294 = arith.constant 720 : i32
    %dma_start3A_295 = arith.constant 0 : i32
    %dma_start3A_296 = tpu.memref_slice %arg6[%dma_start3A_294, %dma_start3A_295] : memref<800x128xf32, #tpu.memory_space<vmem>> -> memref<80x128xf32, #tpu.memory_space<vmem>>
    %dma_start3A_297 = arith.constant 0 : i32
    %dma_start3A_298 = tpu.memref_slice %arg5[%dma_start3A_293, %dma_start3A_297] : memref<20x80xi32, #tpu.memory_space<vmem>> -> memref<1x80xi32, #tpu.memory_space<vmem>>
    %dma_start3A_299 = tpu.memref_squeeze %dma_start3A_298 : memref<1x80xi32, #tpu.memory_space<vmem>> -> memref<80xi32, #tpu.memory_space<vmem>>
    %dma_start3A_300 = arith.constant 0 : i32
    %dma_start3A_301 = arith.constant 0 : i32
    %dma_start3A_302 = tpu.memref_slice %arg2[%dma_start3A_300, %dma_start3A_301] : memref<27x128xf32, #tpu.memory_space<hbm>> -> memref<27x128xf32, #tpu.memory_space<hbm>>
    tpu.enqueue_indirect_dma source(%dma_start3A_302 : memref<27x128xf32, #tpu.memory_space<hbm>>) target(%dma_start3A_296 : memref<80x128xf32, #tpu.memory_space<vmem>>) offsets(%dma_start3A_299 : memref<80xi32, #tpu.memory_space<vmem>>) semaphore(%arg7 : memref<!tpu.dma_semaphore, #tpu.memory_space<semaphore_mem>>)
    %dma_wait3A_303 = arith.constant 10 : i32
    %dma_wait3A_304 = arith.constant 0 : i32
    %dma_wait3A_305 = arith.constant 0 : i32
    %dma_wait3A_306 = tpu.memref_slice %arg6[%dma_wait3A_304, %dma_wait3A_305] : memref<800x128xf32, #tpu.memory_space<vmem>> -> memref<80x128xf32, #tpu.memory_space<vmem>>
    %dma_wait3A_307 = arith.constant 0 : i32
    %dma_wait3A_308 = tpu.memref_slice %arg5[%dma_wait3A_303, %dma_wait3A_307] : memref<20x80xi32, #tpu.memory_space<vmem>> -> memref<1x80xi32, #tpu.memory_space<vmem>>
    %dma_wait3A_309 = tpu.memref_squeeze %dma_wait3A_308 : memref<1x80xi32, #tpu.memory_space<vmem>> -> memref<80xi32, #tpu.memory_space<vmem>>
    %dma_wait3A_310 = arith.constant 0 : i32
    %dma_wait3A_311 = arith.constant 0 : i32
    %dma_wait3A_312 = tpu.memref_slice %arg2[%dma_wait3A_310, %dma_wait3A_311] : memref<27x128xf32, #tpu.memory_space<hbm>> -> memref<27x128xf32, #tpu.memory_space<hbm>>
    tpu.wait_indirect_dma semaphore(%arg7 : memref<!tpu.dma_semaphore, #tpu.memory_space<semaphore_mem>>) src(%dma_wait3A_312 : memref<27x128xf32, #tpu.memory_space<hbm>>) dst(%dma_wait3A_306 : memref<80x128xf32, #tpu.memory_space<vmem>>)
    %dma_wait3A_313 = arith.constant 11 : i32
    %dma_wait3A_314 = arith.constant 80 : i32
    %dma_wait3A_315 = arith.constant 0 : i32
    %dma_wait3A_316 = tpu.memref_slice %arg6[%dma_wait3A_314, %dma_wait3A_315] : memref<800x128xf32, #tpu.memory_space<vmem>> -> memref<80x128xf32, #tpu.memory_space<vmem>>
    %dma_wait3A_317 = arith.constant 0 : i32
    %dma_wait3A_318 = tpu.memref_slice %arg5[%dma_wait3A_313, %dma_wait3A_317] : memref<20x80xi32, #tpu.memory_space<vmem>> -> memref<1x80xi32, #tpu.memory_space<vmem>>
    %dma_wait3A_319 = tpu.memref_squeeze %dma_wait3A_318 : memref<1x80xi32, #tpu.memory_space<vmem>> -> memref<80xi32, #tpu.memory_space<vmem>>
    %dma_wait3A_320 = arith.constant 0 : i32
    %dma_wait3A_321 = arith.constant 0 : i32
    %dma_wait3A_322 = tpu.memref_slice %arg2[%dma_wait3A_320, %dma_wait3A_321] : memref<27x128xf32, #tpu.memory_space<hbm>> -> memref<27x128xf32, #tpu.memory_space<hbm>>
    tpu.wait_indirect_dma semaphore(%arg7 : memref<!tpu.dma_semaphore, #tpu.memory_space<semaphore_mem>>) src(%dma_wait3A_322 : memref<27x128xf32, #tpu.memory_space<hbm>>) dst(%dma_wait3A_316 : memref<80x128xf32, #tpu.memory_space<vmem>>)
    %dma_wait3A_323 = arith.constant 12 : i32
    %dma_wait3A_324 = arith.constant 160 : i32
    %dma_wait3A_325 = arith.constant 0 : i32
    %dma_wait3A_326 = tpu.memref_slice %arg6[%dma_wait3A_324, %dma_wait3A_325] : memref<800x128xf32, #tpu.memory_space<vmem>> -> memref<80x128xf32, #tpu.memory_space<vmem>>
    %dma_wait3A_327 = arith.constant 0 : i32
    %dma_wait3A_328 = tpu.memref_slice %arg5[%dma_wait3A_323, %dma_wait3A_327] : memref<20x80xi32, #tpu.memory_space<vmem>> -> memref<1x80xi32, #tpu.memory_space<vmem>>
    %dma_wait3A_329 = tpu.memref_squeeze %dma_wait3A_328 : memref<1x80xi32, #tpu.memory_space<vmem>> -> memref<80xi32, #tpu.memory_space<vmem>>
    %dma_wait3A_330 = arith.constant 0 : i32
    %dma_wait3A_331 = arith.constant 0 : i32
    %dma_wait3A_332 = tpu.memref_slice %arg2[%dma_wait3A_330, %dma_wait3A_331] : memref<27x128xf32, #tpu.memory_space<hbm>> -> memref<27x128xf32, #tpu.memory_space<hbm>>
    tpu.wait_indirect_dma semaphore(%arg7 : memref<!tpu.dma_semaphore, #tpu.memory_space<semaphore_mem>>) src(%dma_wait3A_332 : memref<27x128xf32, #tpu.memory_space<hbm>>) dst(%dma_wait3A_326 : memref<80x128xf32, #tpu.memory_space<vmem>>)
    %dma_wait3A_333 = arith.constant 13 : i32
    %dma_wait3A_334 = arith.constant 240 : i32
    %dma_wait3A_335 = arith.constant 0 : i32
    %dma_wait3A_336 = tpu.memref_slice %arg6[%dma_wait3A_334, %dma_wait3A_335] : memref<800x128xf32, #tpu.memory_space<vmem>> -> memref<80x128xf32, #tpu.memory_space<vmem>>
    %dma_wait3A_337 = arith.constant 0 : i32
    %dma_wait3A_338 = tpu.memref_slice %arg5[%dma_wait3A_333, %dma_wait3A_337] : memref<20x80xi32, #tpu.memory_space<vmem>> -> memref<1x80xi32, #tpu.memory_space<vmem>>
    %dma_wait3A_339 = tpu.memref_squeeze %dma_wait3A_338 : memref<1x80xi32, #tpu.memory_space<vmem>> -> memref<80xi32, #tpu.memory_space<vmem>>
    %dma_wait3A_340 = arith.constant 0 : i32
    %dma_wait3A_341 = arith.constant 0 : i32
    %dma_wait3A_342 = tpu.memref_slice %arg2[%dma_wait3A_340, %dma_wait3A_341] : memref<27x128xf32, #tpu.memory_space<hbm>> -> memref<27x128xf32, #tpu.memory_space<hbm>>
    tpu.wait_indirect_dma semaphore(%arg7 : memref<!tpu.dma_semaphore, #tpu.memory_space<semaphore_mem>>) src(%dma_wait3A_342 : memref<27x128xf32, #tpu.memory_space<hbm>>) dst(%dma_wait3A_336 : memref<80x128xf32, #tpu.memory_space<vmem>>)
    %dma_wait3A_343 = arith.constant 14 : i32
    %dma_wait3A_344 = arith.constant 320 : i32
    %dma_wait3A_345 = arith.constant 0 : i32
    %dma_wait3A_346 = tpu.memref_slice %arg6[%dma_wait3A_344, %dma_wait3A_345] : memref<800x128xf32, #tpu.memory_space<vmem>> -> memref<80x128xf32, #tpu.memory_space<vmem>>
    %dma_wait3A_347 = arith.constant 0 : i32
    %dma_wait3A_348 = tpu.memref_slice %arg5[%dma_wait3A_343, %dma_wait3A_347] : memref<20x80xi32, #tpu.memory_space<vmem>> -> memref<1x80xi32, #tpu.memory_space<vmem>>
    %dma_wait3A_349 = tpu.memref_squeeze %dma_wait3A_348 : memref<1x80xi32, #tpu.memory_space<vmem>> -> memref<80xi32, #tpu.memory_space<vmem>>
    %dma_wait3A_350 = arith.constant 0 : i32
    %dma_wait3A_351 = arith.constant 0 : i32
    %dma_wait3A_352 = tpu.memref_slice %arg2[%dma_wait3A_350, %dma_wait3A_351] : memref<27x128xf32, #tpu.memory_space<hbm>> -> memref<27x128xf32, #tpu.memory_space<hbm>>
    tpu.wait_indirect_dma semaphore(%arg7 : memref<!tpu.dma_semaphore, #tpu.memory_space<semaphore_mem>>) src(%dma_wait3A_352 : memref<27x128xf32, #tpu.memory_space<hbm>>) dst(%dma_wait3A_346 : memref<80x128xf32, #tpu.memory_space<vmem>>)
    %dma_wait3A_353 = arith.constant 15 : i32
    %dma_wait3A_354 = arith.constant 400 : i32
    %dma_wait3A_355 = arith.constant 0 : i32
    %dma_wait3A_356 = tpu.memref_slice %arg6[%dma_wait3A_354, %dma_wait3A_355] : memref<800x128xf32, #tpu.memory_space<vmem>> -> memref<80x128xf32, #tpu.memory_space<vmem>>
    %dma_wait3A_357 = arith.constant 0 : i32
    %dma_wait3A_358 = tpu.memref_slice %arg5[%dma_wait3A_353, %dma_wait3A_357] : memref<20x80xi32, #tpu.memory_space<vmem>> -> memref<1x80xi32, #tpu.memory_space<vmem>>
    %dma_wait3A_359 = tpu.memref_squeeze %dma_wait3A_358 : memref<1x80xi32, #tpu.memory_space<vmem>> -> memref<80xi32, #tpu.memory_space<vmem>>
    %dma_wait3A_360 = arith.constant 0 : i32
    %dma_wait3A_361 = arith.constant 0 : i32
    %dma_wait3A_362 = tpu.memref_slice %arg2[%dma_wait3A_360, %dma_wait3A_361] : memref<27x128xf32, #tpu.memory_space<hbm>> -> memref<27x128xf32, #tpu.memory_space<hbm>>
    tpu.wait_indirect_dma semaphore(%arg7 : memref<!tpu.dma_semaphore, #tpu.memory_space<semaphore_mem>>) src(%dma_wait3A_362 : memref<27x128xf32, #tpu.memory_space<hbm>>) dst(%dma_wait3A_356 : memref<80x128xf32, #tpu.memory_space<vmem>>)
    %dma_wait3A_363 = arith.constant 16 : i32
    %dma_wait3A_364 = arith.constant 480 : i32
    %dma_wait3A_365 = arith.constant 0 : i32
    %dma_wait3A_366 = tpu.memref_slice %arg6[%dma_wait3A_364, %dma_wait3A_365] : memref<800x128xf32, #tpu.memory_space<vmem>> -> memref<80x128xf32, #tpu.memory_space<vmem>>
    %dma_wait3A_367 = arith.constant 0 : i32
    %dma_wait3A_368 = tpu.memref_slice %arg5[%dma_wait3A_363, %dma_wait3A_367] : memref<20x80xi32, #tpu.memory_space<vmem>> -> memref<1x80xi32, #tpu.memory_space<vmem>>
    %dma_wait3A_369 = tpu.memref_squeeze %dma_wait3A_368 : memref<1x80xi32, #tpu.memory_space<vmem>> -> memref<80xi32, #tpu.memory_space<vmem>>
    %dma_wait3A_370 = arith.constant 0 : i32
    %dma_wait3A_371 = arith.constant 0 : i32
    %dma_wait3A_372 = tpu.memref_slice %arg2[%dma_wait3A_370, %dma_wait3A_371] : memref<27x128xf32, #tpu.memory_space<hbm>> -> memref<27x128xf32, #tpu.memory_space<hbm>>
    tpu.wait_indirect_dma semaphore(%arg7 : memref<!tpu.dma_semaphore, #tpu.memory_space<semaphore_mem>>) src(%dma_wait3A_372 : memref<27x128xf32, #tpu.memory_space<hbm>>) dst(%dma_wait3A_366 : memref<80x128xf32, #tpu.memory_space<vmem>>)
    %dma_wait3A_373 = arith.constant 17 : i32
    %dma_wait3A_374 = arith.constant 560 : i32
    %dma_wait3A_375 = arith.constant 0 : i32
    %dma_wait3A_376 = tpu.memref_slice %arg6[%dma_wait3A_374, %dma_wait3A_375] : memref<800x128xf32, #tpu.memory_space<vmem>> -> memref<80x128xf32, #tpu.memory_space<vmem>>
    %dma_wait3A_377 = arith.constant 0 : i32
    %dma_wait3A_378 = tpu.memref_slice %arg5[%dma_wait3A_373, %dma_wait3A_377] : memref<20x80xi32, #tpu.memory_space<vmem>> -> memref<1x80xi32, #tpu.memory_space<vmem>>
    %dma_wait3A_379 = tpu.memref_squeeze %dma_wait3A_378 : memref<1x80xi32, #tpu.memory_space<vmem>> -> memref<80xi32, #tpu.memory_space<vmem>>
    %dma_wait3A_380 = arith.constant 0 : i32
    %dma_wait3A_381 = arith.constant 0 : i32
    %dma_wait3A_382 = tpu.memref_slice %arg2[%dma_wait3A_380, %dma_wait3A_381] : memref<27x128xf32, #tpu.memory_space<hbm>> -> memref<27x128xf32, #tpu.memory_space<hbm>>
    tpu.wait_indirect_dma semaphore(%arg7 : memref<!tpu.dma_semaphore, #tpu.memory_space<semaphore_mem>>) src(%dma_wait3A_382 : memref<27x128xf32, #tpu.memory_space<hbm>>) dst(%dma_wait3A_376 : memref<80x128xf32, #tpu.memory_space<vmem>>)
    %dma_wait3A_383 = arith.constant 18 : i32
    %dma_wait3A_384 = arith.constant 640 : i32
    %dma_wait3A_385 = arith.constant 0 : i32
    %dma_wait3A_386 = tpu.memref_slice %arg6[%dma_wait3A_384, %dma_wait3A_385] : memref<800x128xf32, #tpu.memory_space<vmem>> -> memref<80x128xf32, #tpu.memory_space<vmem>>
    %dma_wait3A_387 = arith.constant 0 : i32
    %dma_wait3A_388 = tpu.memref_slice %arg5[%dma_wait3A_383, %dma_wait3A_387] : memref<20x80xi32, #tpu.memory_space<vmem>> -> memref<1x80xi32, #tpu.memory_space<vmem>>
    %dma_wait3A_389 = tpu.memref_squeeze %dma_wait3A_388 : memref<1x80xi32, #tpu.memory_space<vmem>> -> memref<80xi32, #tpu.memory_space<vmem>>
    %dma_wait3A_390 = arith.constant 0 : i32
    %dma_wait3A_391 = arith.constant 0 : i32
    %dma_wait3A_392 = tpu.memref_slice %arg2[%dma_wait3A_390, %dma_wait3A_391] : memref<27x128xf32, #tpu.memory_space<hbm>> -> memref<27x128xf32, #tpu.memory_space<hbm>>
    tpu.wait_indirect_dma semaphore(%arg7 : memref<!tpu.dma_semaphore, #tpu.memory_space<semaphore_mem>>) src(%dma_wait3A_392 : memref<27x128xf32, #tpu.memory_space<hbm>>) dst(%dma_wait3A_386 : memref<80x128xf32, #tpu.memory_space<vmem>>)
    %dma_wait3A_393 = arith.constant 19 : i32
    %dma_wait3A_394 = arith.constant 720 : i32
    %dma_wait3A_395 = arith.constant 0 : i32
    %dma_wait3A_396 = tpu.memref_slice %arg6[%dma_wait3A_394, %dma_wait3A_395] : memref<800x128xf32, #tpu.memory_space<vmem>> -> memref<80x128xf32, #tpu.memory_space<vmem>>
    %dma_wait3A_397 = arith.constant 0 : i32
    %dma_wait3A_398 = tpu.memref_slice %arg5[%dma_wait3A_393, %dma_wait3A_397] : memref<20x80xi32, #tpu.memory_space<vmem>> -> memref<1x80xi32, #tpu.memory_space<vmem>>
    %dma_wait3A_399 = tpu.memref_squeeze %dma_wait3A_398 : memref<1x80xi32, #tpu.memory_space<vmem>> -> memref<80xi32, #tpu.memory_space<vmem>>
    %dma_wait3A_400 = arith.constant 0 : i32
    %dma_wait3A_401 = arith.constant 0 : i32
    %dma_wait3A_402 = tpu.memref_slice %arg2[%dma_wait3A_400, %dma_wait3A_401] : memref<27x128xf32, #tpu.memory_space<hbm>> -> memref<27x128xf32, #tpu.memory_space<hbm>>
    tpu.wait_indirect_dma semaphore(%arg7 : memref<!tpu.dma_semaphore, #tpu.memory_space<semaphore_mem>>) src(%dma_wait3A_402 : memref<27x128xf32, #tpu.memory_space<hbm>>) dst(%dma_wait3A_396 : memref<80x128xf32, #tpu.memory_space<vmem>>)
    %add3A_403 = arith.constant 800 : i32
    %add3A_404 = arith.addi %mul3A_2, %add3A_403 : i32
    "tpu.region"() ({
      %run_scoped3A = tpu.sem_alloc : memref<!tpu.dma_semaphore, #tpu.memory_space<semaphore_mem>>
      %dma_start3A_405 = arith.constant 0 : i32
      %dma_start3A_406 = tpu.memref_slice %arg4[%add3A_404, %dma_start3A_405] : memref<51200x128xf32, #tpu.memory_space<hbm>> -> memref<800x128xf32, #tpu.memory_space<hbm>>
      %dma_start3A_407 = arith.constant 0 : i32
      %dma_start3A_408 = tpu.memref_slice %arg4[%add3A_404, %dma_start3A_407] : memref<51200x128xf32, #tpu.memory_space<hbm>> -> memref<800x128xf32, #tpu.memory_space<hbm>>
      tpu.enqueue_dma source(%arg6 : memref<800x128xf32, #tpu.memory_space<vmem>>) target(%dma_start3A_408 : memref<800x128xf32, #tpu.memory_space<hbm>>) target_semaphore(%run_scoped3A : memref<!tpu.dma_semaphore, #tpu.memory_space<semaphore_mem>>)
      %dma_wait3A_409 = arith.constant 0 : i32
      %dma_wait3A_410 = tpu.memref_slice %arg4[%add3A_404, %dma_wait3A_409] : memref<51200x128xf32, #tpu.memory_space<hbm>> -> memref<800x128xf32, #tpu.memory_space<hbm>>
      %dma_wait3A_411 = arith.constant 0 : i32
      %dma_wait3A_412 = tpu.memref_slice %arg4[%add3A_404, %dma_wait3A_411] : memref<51200x128xf32, #tpu.memory_space<hbm>> -> memref<800x128xf32, #tpu.memory_space<hbm>>
      tpu.wait_dma2 semaphore(%run_scoped3A : memref<!tpu.dma_semaphore, #tpu.memory_space<semaphore_mem>>) src(%arg6 : memref<800x128xf32, #tpu.memory_space<vmem>>) dst(%dma_wait3A_412 : memref<800x128xf32, #tpu.memory_space<hbm>>)
      tpu.yield
    }) : () -> ()
    return
  }
}

module attributes {stable_mosaic.version = 14 : i64} {
  func.func @_fwd_kernel(%arg0: i32, %arg1: memref<64x50x1xi32, #tpu.memory_space<vmem>>, %arg2: memref<64x50x4xf32, #tpu.memory_space<vmem>>, %arg3: memref<64x50x128xf32, #tpu.memory_space<vmem>>, %arg4: memref<27x64xf32, #tpu.memory_space<vmem>>, %arg5: memref<26x64xf32, #tpu.memory_space<vmem>>, %arg6: memref<26x4xf32, #tpu.memory_space<vmem>>, %arg7: memref<128x136xf32, #tpu.memory_space<vmem>>, %arg8: memref<1x128xf32, #tpu.memory_space<vmem>>, %arg9: memref<64x128xf32, #tpu.memory_space<vmem>>, %arg10: memref<1x64xf32, #tpu.memory_space<vmem>>, %arg11: memref<26x256x68xf32, #tpu.memory_space<vmem>>, %arg12: memref<26x256xf32, #tpu.memory_space<vmem>>, %arg13: memref<1x128xf32, #tpu.memory_space<vmem>>, %arg14: memref<1x1xf32, #tpu.memory_space<smem>>, %arg15: memref<26x1x128xf32, #tpu.memory_space<vmem>>, %arg16: memref<26x1xf32, #tpu.memory_space<smem>>, %arg17: memref<64x26xf32, #tpu.memory_space<vmem>>, %arg18: memref<64x51x68xf32, #tpu.memory_space<vmem>>, %arg19: memref<64x50x68xf32, #tpu.memory_space<vmem>>, %arg20: memref<64x50x128xf32, #tpu.memory_space<vmem>>, %arg21: memref<64x50x64xf32, #tpu.memory_space<vmem>>) attributes {dimension_semantics = [#tpu.dimension_semantics<arbitrary>], iteration_bounds = array<i64: 16>, scalar_prefetch = 0 : i64, scratch_operands = 4 : i64, tpu.core_type = #tpu.core_type<tc>, window_params = [{transform_indices = @transform_0, window_bounds = array<i64: 64, 50, 1>}, {transform_indices = @transform_1, window_bounds = array<i64: 64, 50, 4>}, {transform_indices = @transform_2, window_bounds = array<i64: 64, 50, 128>}, {pipeline_mode = #tpu.pipeline_mode<synchronous>, transform_indices = @transform_3, window_bounds = array<i64: 27, 64>}, {pipeline_mode = #tpu.pipeline_mode<synchronous>, transform_indices = @transform_4, window_bounds = array<i64: 26, 64>}, {pipeline_mode = #tpu.pipeline_mode<synchronous>, transform_indices = @transform_5, window_bounds = array<i64: 26, 4>}, {pipeline_mode = #tpu.pipeline_mode<synchronous>, transform_indices = @transform_6, window_bounds = array<i64: 128, 136>}, {pipeline_mode = #tpu.pipeline_mode<synchronous>, transform_indices = @transform_7, window_bounds = array<i64: 1, 128>}, {pipeline_mode = #tpu.pipeline_mode<synchronous>, transform_indices = @transform_8, window_bounds = array<i64: 64, 128>}, {pipeline_mode = #tpu.pipeline_mode<synchronous>, transform_indices = @transform_9, window_bounds = array<i64: 1, 64>}, {pipeline_mode = #tpu.pipeline_mode<synchronous>, transform_indices = @transform_10, window_bounds = array<i64: 26, 256, 68>}, {pipeline_mode = #tpu.pipeline_mode<synchronous>, transform_indices = @transform_11, window_bounds = array<i64: 26, 256>}, {pipeline_mode = #tpu.pipeline_mode<synchronous>, transform_indices = @transform_12, window_bounds = array<i64: 1, 128>}, {transform_indices = @transform_13, window_bounds = array<i64: 1, 1>}, {pipeline_mode = #tpu.pipeline_mode<synchronous>, transform_indices = @transform_14, window_bounds = array<i64: 26, 1, 128>}, {transform_indices = @transform_15, window_bounds = array<i64: 26, 1>}, {transform_indices = @transform_16, window_bounds = array<i64: 64, 26>}]} {
    %get3A = arith.constant 0 : index
    %get3A_0 = arith.constant 0 : index
    %get3A_1 = vector.load %arg4[%get3A, %get3A_0] : memref<27x64xf32, #tpu.memory_space<vmem>>, vector<27x64xf32>
    %max3A = arith.constant 0.000000e+00 : f32
    %max3A_2 = vector.broadcast %max3A : f32 to vector<27x64xf32>
    %max3A_3 = arith.maximumf %get3A_1, %max3A_2 : vector<27x64xf32>
    %get3A_4 = arith.constant 0 : index
    %get3A_5 = arith.constant 0 : index
    %get3A_6 = vector.load %arg5[%get3A_4, %get3A_5] : memref<26x64xf32, #tpu.memory_space<vmem>>, vector<26x64xf32>
    %max3A_7 = arith.constant 0.000000e+00 : f32
    %max3A_8 = vector.broadcast %max3A_7 : f32 to vector<26x64xf32>
    %max3A_9 = arith.maximumf %get3A_6, %max3A_8 : vector<26x64xf32>
    %get3A_10 = arith.constant 0 : index
    %get3A_11 = arith.constant 0 : index
    %get3A_12 = vector.load %arg7[%get3A_10, %get3A_11] : memref<128x136xf32, #tpu.memory_space<vmem>>, vector<128x136xf32>
    %slice3A = vector.extract_strided_slice %get3A_12 {offsets = [0, 0], sizes = [128, 68], strides = [1, 1]} : vector<128x136xf32> to vector<128x68xf32>
    %slice3A_13 = vector.extract_strided_slice %get3A_12 {offsets = [0, 68], sizes = [128, 64], strides = [1, 1]} : vector<128x136xf32> to vector<128x64xf32>
    %slice3A_14 = vector.extract_strided_slice %get3A_12 {offsets = [0, 132], sizes = [128, 4], strides = [1, 1]} : vector<128x136xf32> to vector<128x4xf32>
    %dot_general3A = arith.constant dense<0.000000e+00> : vector<26x128xf32>
    %dot_general3A_15 = tpu.matmul %max3A_9, %slice3A_13, %dot_general3A {dimension_numbers = #tpu.dot_dimension_numbers<[1], [1], [0], [0], [0, 0, 1, 0], [], []>, transpose_lhs_hint = false} : vector<26x64xf32>, vector<128x64xf32>, vector<26x128xf32> -> vector<26x128xf32>
    %get3A_16 = arith.constant 0 : index
    %get3A_17 = arith.constant 0 : index
    %get3A_18 = vector.load %arg6[%get3A_16, %get3A_17] : memref<26x4xf32, #tpu.memory_space<vmem>>, vector<26x4xf32>
    %dot_general3A_19 = arith.constant dense<0.000000e+00> : vector<26x128xf32>
    %dot_general3A_20 = tpu.matmul %get3A_18, %slice3A_14, %dot_general3A_19 {dimension_numbers = #tpu.dot_dimension_numbers<[1], [1], [0], [0], [0, 0, 1, 0], [], []>, transpose_lhs_hint = false} : vector<26x4xf32>, vector<128x4xf32>, vector<26x128xf32> -> vector<26x128xf32>
    %add3A = arith.addf %dot_general3A_15, %dot_general3A_20 : vector<26x128xf32>
    %get3A_21 = arith.constant 0 : index
    %get3A_22 = arith.constant 0 : index
    %get3A_23 = vector.load %arg8[%get3A_21, %get3A_22] : memref<1x128xf32, #tpu.memory_space<vmem>>, vector<1x128xf32>
    %add3A_24 = vector.broadcast %get3A_23 : vector<1x128xf32> to vector<26x128xf32>
    %add3A_25 = arith.addf %add3A, %add3A_24 : vector<26x128xf32>
    %broadcast_in_dim3A = arith.constant 1.000000e+00 : f32
    %broadcast_in_dim3A_26 = vector.broadcast %broadcast_in_dim3A : f32 to vector<64x68xf32>
    %concatenate3A = tpu.concatenate %slice3A, %broadcast_in_dim3A_26 in 0 : vector<128x68xf32>, vector<64x68xf32> -> vector<192x68xf32>
    %get3A_27 = arith.constant 0 : index
    %get3A_28 = arith.constant 0 : index
    %get3A_29 = arith.constant 0 : index
    %get3A_30 = vector.load %arg1[%get3A_27, %get3A_28, %get3A_29] : memref<64x50x1xi32, #tpu.memory_space<vmem>>, vector<64x50x1xi32>
    %sub3A = arith.constant 1 : i32
    %sub3A_31 = vector.broadcast %sub3A : i32 to vector<64x50x1xi32>
    %sub3A_32 = arith.subi %get3A_30, %sub3A_31 : vector<64x50x1xi32>
    %iota3A = tpu.iota {dimensions = array<i32: 2>} : vector<64x50x26xi32>
    %eq3A = vector.broadcast %sub3A_32 : vector<64x50x1xi32> to vector<64x50x26xi32>
    %eq3A_33 = arith.cmpi eq, %eq3A, %iota3A : vector<64x50x26xi32>
    %convert_element_type3A = arith.extui %eq3A_33 : vector<64x50x26xi1> to vector<64x50x26xi32>
    %convert_element_type3A_34 = arith.sitofp %convert_element_type3A : vector<64x50x26xi32> to vector<64x50x26xf32>
    %reshape3A = vector.shape_cast %convert_element_type3A_34 : vector<64x50x26xf32> to vector<3200x26xf32>
    %broadcast_in_dim3A_35 = arith.constant 1.000000e+00 : f32
    %broadcast_in_dim3A_36 = vector.broadcast %broadcast_in_dim3A_35 : f32 to vector<26x4xf32>
    %dot_general3A_37 = arith.constant dense<0.000000e+00> : vector<3200x4xf32>
    %dot_general3A_38 = tpu.matmul %reshape3A, %broadcast_in_dim3A_36, %dot_general3A_37 {dimension_numbers = #tpu.dot_dimension_numbers<[1], [0], [0], [1], [0, 0, 1, 1], [], []>, transpose_lhs_hint = false} : vector<3200x26xf32>, vector<26x4xf32>, vector<3200x4xf32> -> vector<3200x4xf32>
    %reshape3A_39 = vector.shape_cast %dot_general3A_38 : vector<3200x4xf32> to vector<64x50x4xf32>
    %get3A_40 = arith.constant 0 : index
    %get3A_41 = arith.constant 0 : index
    %get3A_42 = arith.constant 0 : index
    %get3A_43 = vector.load %arg3[%get3A_40, %get3A_41, %get3A_42] : memref<64x50x128xf32, #tpu.memory_space<vmem>>, vector<64x50x64xf32>
    %get3A_44 = arith.constant 0 : index
    %get3A_45 = arith.constant 0 : index
    %get3A_46 = arith.constant 0 : index
    %get3A_47 = vector.load %arg2[%get3A_44, %get3A_45, %get3A_46] : memref<64x50x4xf32, #tpu.memory_space<vmem>>, vector<64x50x4xf32>
    %mul3A = arith.mulf %get3A_47, %reshape3A_39 : vector<64x50x4xf32>
    %concatenate3A_48 = tpu.concatenate %get3A_43, %mul3A in 2 : vector<64x50x64xf32>, vector<64x50x4xf32> -> vector<64x50x68xf32>
    %swap3A = arith.constant 0 : index
    %swap3A_49 = arith.constant 0 : index
    %swap3A_50 = arith.constant 0 : index
    %swap3A_51 = vector.load %arg19[%swap3A, %swap3A_49, %swap3A_50] : memref<64x50x68xf32, #tpu.memory_space<vmem>>, vector<64x50x68xf32>
    tpu.vector_store %arg19[%swap3A, %swap3A_49, %swap3A_50], %concatenate3A_48 {strides = array<i32>} : memref<64x50x68xf32, #tpu.memory_space<vmem>>, vector<64x50x68xf32>,
    %dot_general3A_52 = arith.constant dense<0.000000e+00> : vector<3200x128xf32>
    %dot_general3A_53 = tpu.matmul %reshape3A, %add3A_25, %dot_general3A_52 {dimension_numbers = #tpu.dot_dimension_numbers<[1], [0], [0], [1], [0, 0, 1, 1], [], []>, transpose_lhs_hint = false} : vector<3200x26xf32>, vector<26x128xf32>, vector<3200x128xf32> -> vector<3200x128xf32>
    %reshape3A_54 = vector.shape_cast %dot_general3A_53 : vector<3200x128xf32> to vector<64x50x128xf32>
    %swap3A_55 = arith.constant 0 : index
    %swap3A_56 = arith.constant 0 : index
    %swap3A_57 = arith.constant 0 : index
    %swap3A_58 = vector.load %arg20[%swap3A_55, %swap3A_56, %swap3A_57] : memref<64x50x128xf32, #tpu.memory_space<vmem>>, vector<64x50x128xf32>
    tpu.vector_store %arg20[%swap3A_55, %swap3A_56, %swap3A_57], %reshape3A_54 {strides = array<i32>} : memref<64x50x128xf32, #tpu.memory_space<vmem>>, vector<64x50x128xf32>,
    %dot_general3A_59 = arith.constant dense<0.000000e+00> : vector<3200x64xf32>
    %dot_general3A_60 = tpu.matmul %reshape3A, %max3A_9, %dot_general3A_59 {dimension_numbers = #tpu.dot_dimension_numbers<[1], [0], [0], [1], [0, 0, 1, 1], [], []>, transpose_lhs_hint = false} : vector<3200x26xf32>, vector<26x64xf32>, vector<3200x64xf32> -> vector<3200x64xf32>
    %reshape3A_61 = vector.shape_cast %dot_general3A_60 : vector<3200x64xf32> to vector<64x50x64xf32>
    %swap3A_62 = arith.constant 0 : index
    %swap3A_63 = arith.constant 0 : index
    %swap3A_64 = arith.constant 0 : index
    %swap3A_65 = vector.load %arg21[%swap3A_62, %swap3A_63, %swap3A_64] : memref<64x50x64xf32, #tpu.memory_space<vmem>>, vector<64x50x64xf32>
    tpu.vector_store %arg21[%swap3A_62, %swap3A_63, %swap3A_64], %reshape3A_61 {strides = array<i32>} : memref<64x50x64xf32, #tpu.memory_space<vmem>>, vector<64x50x64xf32>,
    %slice3A_66 = vector.extract_strided_slice %max3A_3 {offsets = [0, 0], sizes = [1, 64], strides = [1, 1]} : vector<27x64xf32> to vector<1x64xf32>
    %broadcast_in_dim3A_67 = vector.shape_cast %slice3A_66 : vector<1x64xf32> to vector<1x64xf32>
    %broadcast_in_dim3A_68 = vector.broadcast %broadcast_in_dim3A_67 : vector<1x64xf32> to vector<64x64xf32>
    %broadcast_in_dim3A_69 = arith.constant 0.000000e+00 : f32
    %broadcast_in_dim3A_70 = vector.broadcast %broadcast_in_dim3A_69 : f32 to vector<64x4xf32>
    %concatenate3A_71 = tpu.concatenate %broadcast_in_dim3A_68, %broadcast_in_dim3A_70 in 1 : vector<64x64xf32>, vector<64x4xf32> -> vector<64x68xf32>
    %broadcast_in_dim3A_72 = vector.shape_cast %concatenate3A_71 : vector<64x68xf32> to vector<64x1x68xf32>
    %broadcast_in_dim3A_73 = arith.constant 0.000000e+00 : f32
    %broadcast_in_dim3A_74 = vector.broadcast %broadcast_in_dim3A_73 : f32 to vector<64x50x68xf32>
    %concatenate3A_75 = tpu.concatenate %broadcast_in_dim3A_72, %broadcast_in_dim3A_74 in 1 : vector<64x1x68xf32>, vector<64x50x68xf32> -> vector<64x51x68xf32>
    %swap3A_76 = arith.constant 0 : index
    %swap3A_77 = arith.constant 0 : index
    %swap3A_78 = arith.constant 0 : index
    %swap3A_79 = vector.load %arg18[%swap3A_76, %swap3A_77, %swap3A_78] : memref<64x51x68xf32, #tpu.memory_space<vmem>>, vector<64x51x68xf32>
    tpu.vector_store %arg18[%swap3A_76, %swap3A_77, %swap3A_78], %concatenate3A_75 {strides = array<i32>} : memref<64x51x68xf32, #tpu.memory_space<vmem>>, vector<64x51x68xf32>,
    %get3A_80 = arith.constant 0 : index
    %get3A_81 = arith.constant 0 : index
    %get3A_82 = vector.load %arg9[%get3A_80, %get3A_81] : memref<64x128xf32, #tpu.memory_space<vmem>>, vector<64x128xf32>
    %get3A_83 = arith.constant 0 : index
    %get3A_84 = arith.constant 0 : index
    %get3A_85 = vector.load %arg10[%get3A_83, %get3A_84] : memref<1x64xf32, #tpu.memory_space<vmem>>, vector<1x64xf32>
    %scan3A = arith.constant 0 : i32
    %scan3A_86 = arith.constant 7 : i32
    %scan3A_87 = arith.addi %scan3A, %scan3A_86 : i32
    %scan3A_88 = arith.constant 1 : i32
    scf.for %scan3A_182 = %scan3A to %scan3A_87 step %scan3A_88  : i32 {
      %get3A_183 = arith.constant 0 : index
      %get3A_184 = arith.constant 0 : index
      %get3A_185 = arith.constant 0 : index
      %get3A_186 = vector.load %arg18[%get3A_183, %get3A_184, %get3A_185] : memref<64x51x68xf32, #tpu.memory_space<vmem>>, vector<64x8x68xf32>
      %reshape3A_187 = vector.shape_cast %get3A_186 : vector<64x8x68xf32> to vector<512x68xf32>
      %dot_general3A_188 = arith.constant dense<0.000000e+00> : vector<512x192xf32>
      %dot_general3A_189 = tpu.matmul %reshape3A_187, %concatenate3A, %dot_general3A_188 {dimension_numbers = #tpu.dot_dimension_numbers<[1], [1], [0], [0], [0, 0, 1, 0], [], []>, transpose_lhs_hint = false} : vector<512x68xf32>, vector<192x68xf32>, vector<512x192xf32> -> vector<512x192xf32>
      %reshape3A_190 = vector.shape_cast %dot_general3A_189 : vector<512x192xf32> to vector<64x8x192xf32>
      %slice3A_191 = vector.extract_strided_slice %reshape3A_190 {offsets = [0, 0, 128], sizes = [64, 8, 64], strides = [1, 1, 1]} : vector<64x8x192xf32> to vector<64x8x64xf32>
      %slice3A_192 = vector.extract_strided_slice %reshape3A_190 {offsets = [0, 0, 0], sizes = [64, 8, 128], strides = [1, 1, 1]} : vector<64x8x192xf32> to vector<64x8x128xf32>
      %get3A_193 = arith.constant 0 : index
      %get3A_194 = arith.index_cast %scan3A_182 : i32 to index
      %get3A_195 = arith.constant 0 : index
      %get3A_196 = vector.load %arg20[%get3A_193, %get3A_194, %get3A_195] : memref<64x50x128xf32, #tpu.memory_space<vmem>>, vector<64x1x128xf32>
      %get3A_197 = vector.shape_cast %get3A_196 : vector<64x1x128xf32> to vector<64x128xf32>
      %broadcast_in_dim3A_198 = vector.shape_cast %get3A_197 : vector<64x128xf32> to vector<64x1x128xf32>
      %add3A_199 = vector.broadcast %broadcast_in_dim3A_198 : vector<64x1x128xf32> to vector<64x8x128xf32>
      %add3A_200 = arith.addf %slice3A_192, %add3A_199 : vector<64x8x128xf32>
      %ge3A = arith.constant 0.000000e+00 : f32
      %ge3A_201 = vector.broadcast %ge3A : f32 to vector<64x8x128xf32>
      %ge3A_202 = arith.cmpf oge, %add3A_200, %ge3A_201 : vector<64x8x128xf32>
      %mul3A_203 = arith.constant 0.00999999977 : f32
      %mul3A_204 = vector.broadcast %mul3A_203 : f32 to vector<64x8x128xf32>
      %mul3A_205 = arith.mulf %mul3A_204, %add3A_200 : vector<64x8x128xf32>
      %select_n3A_206 = arith.select %ge3A_202, %add3A_200, %mul3A_205 : vector<64x8x128xi1>, vector<64x8x128xf32>
      %reshape3A_207 = vector.shape_cast %select_n3A_206 : vector<64x8x128xf32> to vector<512x128xf32>
      %dot_general3A_208 = arith.constant dense<0.000000e+00> : vector<512x64xf32>
      %dot_general3A_209 = tpu.matmul %reshape3A_207, %get3A_82, %dot_general3A_208 {dimension_numbers = #tpu.dot_dimension_numbers<[1], [1], [0], [0], [0, 0, 1, 0], [], []>, transpose_lhs_hint = false} : vector<512x128xf32>, vector<64x128xf32>, vector<512x64xf32> -> vector<512x64xf32>
      %reshape3A_210 = vector.shape_cast %dot_general3A_209 : vector<512x64xf32> to vector<64x8x64xf32>
      %broadcast_in_dim3A_211 = vector.shape_cast %get3A_85 : vector<1x64xf32> to vector<1x1x64xf32>
      %add3A_212 = vector.broadcast %broadcast_in_dim3A_211 : vector<1x1x64xf32> to vector<64x8x64xf32>
      %add3A_213 = arith.addf %reshape3A_210, %add3A_212 : vector<64x8x64xf32>
      %eq3A_214 = arith.constant 0.000000e+00 : f32
      %eq3A_215 = vector.broadcast %eq3A_214 : f32 to vector<64x8x64xf32>
      %eq3A_216 = arith.cmpf oeq, %slice3A_191, %eq3A_215 : vector<64x8x64xf32>
      %jit3A_217 = arith.constant -1.000000e+09 : f32
      %broadcast_in_dim3A_218 = vector.broadcast %jit3A_217 : f32 to vector<64x8x64xf32>
      %select_n3A_219 = arith.select %eq3A_216, %broadcast_in_dim3A_218, %add3A_213 : vector<64x8x64xi1>, vector<64x8x64xf32>
      %reduce_max3A = arith.constant dense<0xFF800000> : vector<64x64xf32>
      %reduce_max3A_220 = vector.multi_reduction <maximumf>, %select_n3A_219, %reduce_max3A [1] : vector<64x8x64xf32> to vector<64x64xf32>
      %broadcast_in_dim3A_221 = vector.shape_cast %reduce_max3A_220 : vector<64x64xf32> to vector<64x1x64xf32>
      %sub3A_222 = vector.broadcast %broadcast_in_dim3A_221 : vector<64x1x64xf32> to vector<64x8x64xf32>
      %sub3A_223 = arith.subf %select_n3A_219, %sub3A_222 : vector<64x8x64xf32>
      %exp3A = math.exp %sub3A_223 : vector<64x8x64xf32>
      %reduce_sum3A_224 = arith.constant dense<0.000000e+00> : vector<64x64xf32>
      %reduce_sum3A_225 = vector.multi_reduction <add>, %exp3A, %reduce_sum3A_224 [1] : vector<64x8x64xf32> to vector<64x64xf32>
      %broadcast_in_dim3A_226 = vector.shape_cast %reduce_sum3A_225 : vector<64x64xf32> to vector<64x1x64xf32>
      %div3A_227 = vector.broadcast %broadcast_in_dim3A_226 : vector<64x1x64xf32> to vector<64x8x64xf32>
      %div3A_228 = arith.divf %exp3A, %div3A_227 : vector<64x8x64xf32>
      %get3A_229 = arith.constant 0 : index
      %get3A_230 = arith.index_cast %scan3A_182 : i32 to index
      %get3A_231 = arith.constant 0 : index
      %get3A_232 = vector.load %arg21[%get3A_229, %get3A_230, %get3A_231] : memref<64x50x64xf32, #tpu.memory_space<vmem>>, vector<64x1x64xf32>
      %get3A_233 = vector.shape_cast %get3A_232 : vector<64x1x64xf32> to vector<64x64xf32>
      %broadcast_in_dim3A_234 = vector.shape_cast %get3A_233 : vector<64x64xf32> to vector<64x1x64xf32>
      %mul3A_235 = vector.broadcast %broadcast_in_dim3A_234 : vector<64x1x64xf32> to vector<64x8x64xf32>
      %mul3A_236 = arith.mulf %div3A_228, %mul3A_235 : vector<64x8x64xf32>
      %broadcast_in_dim3A_237 = arith.constant 0.000000e+00 : f32
      %broadcast_in_dim3A_238 = vector.broadcast %broadcast_in_dim3A_237 : f32 to vector<64x8x4xf32>
      %concatenate3A_239 = tpu.concatenate %mul3A_236, %broadcast_in_dim3A_238 in 2 : vector<64x8x64xf32>, vector<64x8x4xf32> -> vector<64x8x68xf32>
      %sub3A_240 = arith.subf %get3A_186, %concatenate3A_239 : vector<64x8x68xf32>
      %max3A_241 = arith.constant 0.000000e+00 : f32
      %max3A_242 = vector.broadcast %max3A_241 : f32 to vector<64x8x68xf32>
      %max3A_243 = arith.maximumf %sub3A_240, %max3A_242 : vector<64x8x68xf32>
      %swap3A_244 = arith.constant 0 : index
      %swap3A_245 = arith.constant 0 : index
      %swap3A_246 = arith.constant 0 : index
      %swap3A_247 = vector.load %arg18[%swap3A_244, %swap3A_245, %swap3A_246] : memref<64x51x68xf32, #tpu.memory_space<vmem>>, vector<64x8x68xf32>
      tpu.vector_store %arg18[%swap3A_244, %swap3A_245, %swap3A_246], %max3A_243 {strides = array<i32>} : memref<64x51x68xf32, #tpu.memory_space<vmem>>, vector<64x8x68xf32>,
      %get3A_248 = arith.constant 0 : index
      %get3A_249 = arith.index_cast %scan3A_182 : i32 to index
      %get3A_250 = arith.constant 0 : index
      %get3A_251 = vector.load %arg19[%get3A_248, %get3A_249, %get3A_250] : memref<64x50x68xf32, #tpu.memory_space<vmem>>, vector<64x1x68xf32>
      %add3A_252 = arith.constant 1 : i32
      %add3A_253 = arith.addi %scan3A_182, %add3A_252 : i32
      %swap3A_254 = arith.constant 0 : index
      %swap3A_255 = arith.index_cast %add3A_253 : i32 to index
      %swap3A_256 = arith.constant 0 : index
      %swap3A_257 = vector.load %arg18[%swap3A_254, %swap3A_255, %swap3A_256] : memref<64x51x68xf32, #tpu.memory_space<vmem>>, vector<64x1x68xf32>
      tpu.vector_store %arg18[%swap3A_254, %swap3A_255, %swap3A_256], %get3A_251 {strides = array<i32>} : memref<64x51x68xf32, #tpu.memory_space<vmem>>, vector<64x1x68xf32>,
    }
    %scan3A_89 = arith.constant 7 : i32
    %scan3A_90 = arith.constant 7 : i32
    %scan3A_91 = arith.constant 8 : i32
    %scan3A_92 = arith.addi %scan3A_90, %scan3A_91 : i32
    %scan3A_93 = arith.constant 1 : i32
    scf.for %scan3A_182 = %scan3A_90 to %scan3A_92 step %scan3A_93  : i32 {
      %get3A_183 = arith.constant 0 : index
      %get3A_184 = arith.constant 0 : index
      %get3A_185 = arith.constant 0 : index
      %get3A_186 = vector.load %arg18[%get3A_183, %get3A_184, %get3A_185] : memref<64x51x68xf32, #tpu.memory_space<vmem>>, vector<64x16x68xf32>
      %reshape3A_187 = vector.shape_cast %get3A_186 : vector<64x16x68xf32> to vector<1024x68xf32>
      %dot_general3A_188 = arith.constant dense<0.000000e+00> : vector<1024x192xf32>
      %dot_general3A_189 = tpu.matmul %reshape3A_187, %concatenate3A, %dot_general3A_188 {dimension_numbers = #tpu.dot_dimension_numbers<[1], [1], [0], [0], [0, 0, 1, 0], [], []>, transpose_lhs_hint = false} : vector<1024x68xf32>, vector<192x68xf32>, vector<1024x192xf32> -> vector<1024x192xf32>
      %reshape3A_190 = vector.shape_cast %dot_general3A_189 : vector<1024x192xf32> to vector<64x16x192xf32>
      %slice3A_191 = vector.extract_strided_slice %reshape3A_190 {offsets = [0, 0, 128], sizes = [64, 16, 64], strides = [1, 1, 1]} : vector<64x16x192xf32> to vector<64x16x64xf32>
      %slice3A_192 = vector.extract_strided_slice %reshape3A_190 {offsets = [0, 0, 0], sizes = [64, 16, 128], strides = [1, 1, 1]} : vector<64x16x192xf32> to vector<64x16x128xf32>
      %get3A_193 = arith.constant 0 : index
      %get3A_194 = arith.index_cast %scan3A_182 : i32 to index
      %get3A_195 = arith.constant 0 : index
      %get3A_196 = vector.load %arg20[%get3A_193, %get3A_194, %get3A_195] : memref<64x50x128xf32, #tpu.memory_space<vmem>>, vector<64x1x128xf32>
      %get3A_197 = vector.shape_cast %get3A_196 : vector<64x1x128xf32> to vector<64x128xf32>
      %broadcast_in_dim3A_198 = vector.shape_cast %get3A_197 : vector<64x128xf32> to vector<64x1x128xf32>
      %add3A_199 = vector.broadcast %broadcast_in_dim3A_198 : vector<64x1x128xf32> to vector<64x16x128xf32>
      %add3A_200 = arith.addf %slice3A_192, %add3A_199 : vector<64x16x128xf32>
      %ge3A = arith.constant 0.000000e+00 : f32
      %ge3A_201 = vector.broadcast %ge3A : f32 to vector<64x16x128xf32>
      %ge3A_202 = arith.cmpf oge, %add3A_200, %ge3A_201 : vector<64x16x128xf32>
      %mul3A_203 = arith.constant 0.00999999977 : f32
      %mul3A_204 = vector.broadcast %mul3A_203 : f32 to vector<64x16x128xf32>
      %mul3A_205 = arith.mulf %mul3A_204, %add3A_200 : vector<64x16x128xf32>
      %select_n3A_206 = arith.select %ge3A_202, %add3A_200, %mul3A_205 : vector<64x16x128xi1>, vector<64x16x128xf32>
      %reshape3A_207 = vector.shape_cast %select_n3A_206 : vector<64x16x128xf32> to vector<1024x128xf32>
      %dot_general3A_208 = arith.constant dense<0.000000e+00> : vector<1024x64xf32>
      %dot_general3A_209 = tpu.matmul %reshape3A_207, %get3A_82, %dot_general3A_208 {dimension_numbers = #tpu.dot_dimension_numbers<[1], [1], [0], [0], [0, 0, 1, 0], [], []>, transpose_lhs_hint = false} : vector<1024x128xf32>, vector<64x128xf32>, vector<1024x64xf32> -> vector<1024x64xf32>
      %reshape3A_210 = vector.shape_cast %dot_general3A_209 : vector<1024x64xf32> to vector<64x16x64xf32>
      %broadcast_in_dim3A_211 = vector.shape_cast %get3A_85 : vector<1x64xf32> to vector<1x1x64xf32>
      %add3A_212 = vector.broadcast %broadcast_in_dim3A_211 : vector<1x1x64xf32> to vector<64x16x64xf32>
      %add3A_213 = arith.addf %reshape3A_210, %add3A_212 : vector<64x16x64xf32>
      %eq3A_214 = arith.constant 0.000000e+00 : f32
      %eq3A_215 = vector.broadcast %eq3A_214 : f32 to vector<64x16x64xf32>
      %eq3A_216 = arith.cmpf oeq, %slice3A_191, %eq3A_215 : vector<64x16x64xf32>
      %jit3A_217 = arith.constant -1.000000e+09 : f32
      %broadcast_in_dim3A_218 = vector.broadcast %jit3A_217 : f32 to vector<64x16x64xf32>
      %select_n3A_219 = arith.select %eq3A_216, %broadcast_in_dim3A_218, %add3A_213 : vector<64x16x64xi1>, vector<64x16x64xf32>
      %reduce_max3A = arith.constant dense<0xFF800000> : vector<64x64xf32>
      %reduce_max3A_220 = vector.multi_reduction <maximumf>, %select_n3A_219, %reduce_max3A [1] : vector<64x16x64xf32> to vector<64x64xf32>
      %broadcast_in_dim3A_221 = vector.shape_cast %reduce_max3A_220 : vector<64x64xf32> to vector<64x1x64xf32>
      %sub3A_222 = vector.broadcast %broadcast_in_dim3A_221 : vector<64x1x64xf32> to vector<64x16x64xf32>
      %sub3A_223 = arith.subf %select_n3A_219, %sub3A_222 : vector<64x16x64xf32>
      %exp3A = math.exp %sub3A_223 : vector<64x16x64xf32>
      %reduce_sum3A_224 = arith.constant dense<0.000000e+00> : vector<64x64xf32>
      %reduce_sum3A_225 = vector.multi_reduction <add>, %exp3A, %reduce_sum3A_224 [1] : vector<64x16x64xf32> to vector<64x64xf32>
      %broadcast_in_dim3A_226 = vector.shape_cast %reduce_sum3A_225 : vector<64x64xf32> to vector<64x1x64xf32>
      %div3A_227 = vector.broadcast %broadcast_in_dim3A_226 : vector<64x1x64xf32> to vector<64x16x64xf32>
      %div3A_228 = arith.divf %exp3A, %div3A_227 : vector<64x16x64xf32>
      %get3A_229 = arith.constant 0 : index
      %get3A_230 = arith.index_cast %scan3A_182 : i32 to index
      %get3A_231 = arith.constant 0 : index
      %get3A_232 = vector.load %arg21[%get3A_229, %get3A_230, %get3A_231] : memref<64x50x64xf32, #tpu.memory_space<vmem>>, vector<64x1x64xf32>
      %get3A_233 = vector.shape_cast %get3A_232 : vector<64x1x64xf32> to vector<64x64xf32>
      %broadcast_in_dim3A_234 = vector.shape_cast %get3A_233 : vector<64x64xf32> to vector<64x1x64xf32>
      %mul3A_235 = vector.broadcast %broadcast_in_dim3A_234 : vector<64x1x64xf32> to vector<64x16x64xf32>
      %mul3A_236 = arith.mulf %div3A_228, %mul3A_235 : vector<64x16x64xf32>
      %broadcast_in_dim3A_237 = arith.constant 0.000000e+00 : f32
      %broadcast_in_dim3A_238 = vector.broadcast %broadcast_in_dim3A_237 : f32 to vector<64x16x4xf32>
      %concatenate3A_239 = tpu.concatenate %mul3A_236, %broadcast_in_dim3A_238 in 2 : vector<64x16x64xf32>, vector<64x16x4xf32> -> vector<64x16x68xf32>
      %sub3A_240 = arith.subf %get3A_186, %concatenate3A_239 : vector<64x16x68xf32>
      %max3A_241 = arith.constant 0.000000e+00 : f32
      %max3A_242 = vector.broadcast %max3A_241 : f32 to vector<64x16x68xf32>
      %max3A_243 = arith.maximumf %sub3A_240, %max3A_242 : vector<64x16x68xf32>
      %swap3A_244 = arith.constant 0 : index
      %swap3A_245 = arith.constant 0 : index
      %swap3A_246 = arith.constant 0 : index
      %swap3A_247 = vector.load %arg18[%swap3A_244, %swap3A_245, %swap3A_246] : memref<64x51x68xf32, #tpu.memory_space<vmem>>, vector<64x16x68xf32>
      tpu.vector_store %arg18[%swap3A_244, %swap3A_245, %swap3A_246], %max3A_243 {strides = array<i32>} : memref<64x51x68xf32, #tpu.memory_space<vmem>>, vector<64x16x68xf32>,
      %get3A_248 = arith.constant 0 : index
      %get3A_249 = arith.index_cast %scan3A_182 : i32 to index
      %get3A_250 = arith.constant 0 : index
      %get3A_251 = vector.load %arg19[%get3A_248, %get3A_249, %get3A_250] : memref<64x50x68xf32, #tpu.memory_space<vmem>>, vector<64x1x68xf32>
      %add3A_252 = arith.constant 1 : i32
      %add3A_253 = arith.addi %scan3A_182, %add3A_252 : i32
      %swap3A_254 = arith.constant 0 : index
      %swap3A_255 = arith.index_cast %add3A_253 : i32 to index
      %swap3A_256 = arith.constant 0 : index
      %swap3A_257 = vector.load %arg18[%swap3A_254, %swap3A_255, %swap3A_256] : memref<64x51x68xf32, #tpu.memory_space<vmem>>, vector<64x1x68xf32>
      tpu.vector_store %arg18[%swap3A_254, %swap3A_255, %swap3A_256], %get3A_251 {strides = array<i32>} : memref<64x51x68xf32, #tpu.memory_space<vmem>>, vector<64x1x68xf32>,
    }
    %scan3A_94 = arith.constant 8 : i32
    %scan3A_95 = arith.constant 15 : i32
    %scan3A_96 = arith.constant 8 : i32
    %scan3A_97 = arith.addi %scan3A_95, %scan3A_96 : i32
    %scan3A_98 = arith.constant 1 : i32
    scf.for %scan3A_182 = %scan3A_95 to %scan3A_97 step %scan3A_98  : i32 {
      %get3A_183 = arith.constant 0 : index
      %get3A_184 = arith.constant 0 : index
      %get3A_185 = arith.constant 0 : index
      %get3A_186 = vector.load %arg18[%get3A_183, %get3A_184, %get3A_185] : memref<64x51x68xf32, #tpu.memory_space<vmem>>, vector<64x24x68xf32>
      %reshape3A_187 = vector.shape_cast %get3A_186 : vector<64x24x68xf32> to vector<1536x68xf32>
      %dot_general3A_188 = arith.constant dense<0.000000e+00> : vector<1536x192xf32>
      %dot_general3A_189 = tpu.matmul %reshape3A_187, %concatenate3A, %dot_general3A_188 {dimension_numbers = #tpu.dot_dimension_numbers<[1], [1], [0], [0], [0, 0, 1, 0], [], []>, transpose_lhs_hint = false} : vector<1536x68xf32>, vector<192x68xf32>, vector<1536x192xf32> -> vector<1536x192xf32>
      %reshape3A_190 = vector.shape_cast %dot_general3A_189 : vector<1536x192xf32> to vector<64x24x192xf32>
      %slice3A_191 = vector.extract_strided_slice %reshape3A_190 {offsets = [0, 0, 128], sizes = [64, 24, 64], strides = [1, 1, 1]} : vector<64x24x192xf32> to vector<64x24x64xf32>
      %slice3A_192 = vector.extract_strided_slice %reshape3A_190 {offsets = [0, 0, 0], sizes = [64, 24, 128], strides = [1, 1, 1]} : vector<64x24x192xf32> to vector<64x24x128xf32>
      %get3A_193 = arith.constant 0 : index
      %get3A_194 = arith.index_cast %scan3A_182 : i32 to index
      %get3A_195 = arith.constant 0 : index
      %get3A_196 = vector.load %arg20[%get3A_193, %get3A_194, %get3A_195] : memref<64x50x128xf32, #tpu.memory_space<vmem>>, vector<64x1x128xf32>
      %get3A_197 = vector.shape_cast %get3A_196 : vector<64x1x128xf32> to vector<64x128xf32>
      %broadcast_in_dim3A_198 = vector.shape_cast %get3A_197 : vector<64x128xf32> to vector<64x1x128xf32>
      %add3A_199 = vector.broadcast %broadcast_in_dim3A_198 : vector<64x1x128xf32> to vector<64x24x128xf32>
      %add3A_200 = arith.addf %slice3A_192, %add3A_199 : vector<64x24x128xf32>
      %ge3A = arith.constant 0.000000e+00 : f32
      %ge3A_201 = vector.broadcast %ge3A : f32 to vector<64x24x128xf32>
      %ge3A_202 = arith.cmpf oge, %add3A_200, %ge3A_201 : vector<64x24x128xf32>
      %mul3A_203 = arith.constant 0.00999999977 : f32
      %mul3A_204 = vector.broadcast %mul3A_203 : f32 to vector<64x24x128xf32>
      %mul3A_205 = arith.mulf %mul3A_204, %add3A_200 : vector<64x24x128xf32>
      %select_n3A_206 = arith.select %ge3A_202, %add3A_200, %mul3A_205 : vector<64x24x128xi1>, vector<64x24x128xf32>
      %reshape3A_207 = vector.shape_cast %select_n3A_206 : vector<64x24x128xf32> to vector<1536x128xf32>
      %dot_general3A_208 = arith.constant dense<0.000000e+00> : vector<1536x64xf32>
      %dot_general3A_209 = tpu.matmul %reshape3A_207, %get3A_82, %dot_general3A_208 {dimension_numbers = #tpu.dot_dimension_numbers<[1], [1], [0], [0], [0, 0, 1, 0], [], []>, transpose_lhs_hint = false} : vector<1536x128xf32>, vector<64x128xf32>, vector<1536x64xf32> -> vector<1536x64xf32>
      %reshape3A_210 = vector.shape_cast %dot_general3A_209 : vector<1536x64xf32> to vector<64x24x64xf32>
      %broadcast_in_dim3A_211 = vector.shape_cast %get3A_85 : vector<1x64xf32> to vector<1x1x64xf32>
      %add3A_212 = vector.broadcast %broadcast_in_dim3A_211 : vector<1x1x64xf32> to vector<64x24x64xf32>
      %add3A_213 = arith.addf %reshape3A_210, %add3A_212 : vector<64x24x64xf32>
      %eq3A_214 = arith.constant 0.000000e+00 : f32
      %eq3A_215 = vector.broadcast %eq3A_214 : f32 to vector<64x24x64xf32>
      %eq3A_216 = arith.cmpf oeq, %slice3A_191, %eq3A_215 : vector<64x24x64xf32>
      %jit3A_217 = arith.constant -1.000000e+09 : f32
      %broadcast_in_dim3A_218 = vector.broadcast %jit3A_217 : f32 to vector<64x24x64xf32>
      %select_n3A_219 = arith.select %eq3A_216, %broadcast_in_dim3A_218, %add3A_213 : vector<64x24x64xi1>, vector<64x24x64xf32>
      %reduce_max3A = arith.constant dense<0xFF800000> : vector<64x64xf32>
      %reduce_max3A_220 = vector.multi_reduction <maximumf>, %select_n3A_219, %reduce_max3A [1] : vector<64x24x64xf32> to vector<64x64xf32>
      %broadcast_in_dim3A_221 = vector.shape_cast %reduce_max3A_220 : vector<64x64xf32> to vector<64x1x64xf32>
      %sub3A_222 = vector.broadcast %broadcast_in_dim3A_221 : vector<64x1x64xf32> to vector<64x24x64xf32>
      %sub3A_223 = arith.subf %select_n3A_219, %sub3A_222 : vector<64x24x64xf32>
      %exp3A = math.exp %sub3A_223 : vector<64x24x64xf32>
      %reduce_sum3A_224 = arith.constant dense<0.000000e+00> : vector<64x64xf32>
      %reduce_sum3A_225 = vector.multi_reduction <add>, %exp3A, %reduce_sum3A_224 [1] : vector<64x24x64xf32> to vector<64x64xf32>
      %broadcast_in_dim3A_226 = vector.shape_cast %reduce_sum3A_225 : vector<64x64xf32> to vector<64x1x64xf32>
      %div3A_227 = vector.broadcast %broadcast_in_dim3A_226 : vector<64x1x64xf32> to vector<64x24x64xf32>
      %div3A_228 = arith.divf %exp3A, %div3A_227 : vector<64x24x64xf32>
      %get3A_229 = arith.constant 0 : index
      %get3A_230 = arith.index_cast %scan3A_182 : i32 to index
      %get3A_231 = arith.constant 0 : index
      %get3A_232 = vector.load %arg21[%get3A_229, %get3A_230, %get3A_231] : memref<64x50x64xf32, #tpu.memory_space<vmem>>, vector<64x1x64xf32>
      %get3A_233 = vector.shape_cast %get3A_232 : vector<64x1x64xf32> to vector<64x64xf32>
      %broadcast_in_dim3A_234 = vector.shape_cast %get3A_233 : vector<64x64xf32> to vector<64x1x64xf32>
      %mul3A_235 = vector.broadcast %broadcast_in_dim3A_234 : vector<64x1x64xf32> to vector<64x24x64xf32>
      %mul3A_236 = arith.mulf %div3A_228, %mul3A_235 : vector<64x24x64xf32>
      %broadcast_in_dim3A_237 = arith.constant 0.000000e+00 : f32
      %broadcast_in_dim3A_238 = vector.broadcast %broadcast_in_dim3A_237 : f32 to vector<64x24x4xf32>
      %concatenate3A_239 = tpu.concatenate %mul3A_236, %broadcast_in_dim3A_238 in 2 : vector<64x24x64xf32>, vector<64x24x4xf32> -> vector<64x24x68xf32>
      %sub3A_240 = arith.subf %get3A_186, %concatenate3A_239 : vector<64x24x68xf32>
      %max3A_241 = arith.constant 0.000000e+00 : f32
      %max3A_242 = vector.broadcast %max3A_241 : f32 to vector<64x24x68xf32>
      %max3A_243 = arith.maximumf %sub3A_240, %max3A_242 : vector<64x24x68xf32>
      %swap3A_244 = arith.constant 0 : index
      %swap3A_245 = arith.constant 0 : index
      %swap3A_246 = arith.constant 0 : index
      %swap3A_247 = vector.load %arg18[%swap3A_244, %swap3A_245, %swap3A_246] : memref<64x51x68xf32, #tpu.memory_space<vmem>>, vector<64x24x68xf32>
      tpu.vector_store %arg18[%swap3A_244, %swap3A_245, %swap3A_246], %max3A_243 {strides = array<i32>} : memref<64x51x68xf32, #tpu.memory_space<vmem>>, vector<64x24x68xf32>,
      %get3A_248 = arith.constant 0 : index
      %get3A_249 = arith.index_cast %scan3A_182 : i32 to index
      %get3A_250 = arith.constant 0 : index
      %get3A_251 = vector.load %arg19[%get3A_248, %get3A_249, %get3A_250] : memref<64x50x68xf32, #tpu.memory_space<vmem>>, vector<64x1x68xf32>
      %add3A_252 = arith.constant 1 : i32
      %add3A_253 = arith.addi %scan3A_182, %add3A_252 : i32
      %swap3A_254 = arith.constant 0 : index
      %swap3A_255 = arith.index_cast %add3A_253 : i32 to index
      %swap3A_256 = arith.constant 0 : index
      %swap3A_257 = vector.load %arg18[%swap3A_254, %swap3A_255, %swap3A_256] : memref<64x51x68xf32, #tpu.memory_space<vmem>>, vector<64x1x68xf32>
      tpu.vector_store %arg18[%swap3A_254, %swap3A_255, %swap3A_256], %get3A_251 {strides = array<i32>} : memref<64x51x68xf32, #tpu.memory_space<vmem>>, vector<64x1x68xf32>,
    }
    %scan3A_99 = arith.constant 8 : i32
    %scan3A_100 = arith.constant 23 : i32
    %scan3A_101 = arith.constant 8 : i32
    %scan3A_102 = arith.addi %scan3A_100, %scan3A_101 : i32
    %scan3A_103 = arith.constant 1 : i32
    scf.for %scan3A_182 = %scan3A_100 to %scan3A_102 step %scan3A_103  : i32 {
      %get3A_183 = arith.constant 0 : index
      %get3A_184 = arith.constant 0 : index
      %get3A_185 = arith.constant 0 : index
      %get3A_186 = vector.load %arg18[%get3A_183, %get3A_184, %get3A_185] : memref<64x51x68xf32, #tpu.memory_space<vmem>>, vector<64x32x68xf32>
      %reshape3A_187 = vector.shape_cast %get3A_186 : vector<64x32x68xf32> to vector<2048x68xf32>
      %dot_general3A_188 = arith.constant dense<0.000000e+00> : vector<2048x192xf32>
      %dot_general3A_189 = tpu.matmul %reshape3A_187, %concatenate3A, %dot_general3A_188 {dimension_numbers = #tpu.dot_dimension_numbers<[1], [1], [0], [0], [0, 0, 1, 0], [], []>, transpose_lhs_hint = false} : vector<2048x68xf32>, vector<192x68xf32>, vector<2048x192xf32> -> vector<2048x192xf32>
      %reshape3A_190 = vector.shape_cast %dot_general3A_189 : vector<2048x192xf32> to vector<64x32x192xf32>
      %slice3A_191 = vector.extract_strided_slice %reshape3A_190 {offsets = [0, 0, 128], sizes = [64, 32, 64], strides = [1, 1, 1]} : vector<64x32x192xf32> to vector<64x32x64xf32>
      %slice3A_192 = vector.extract_strided_slice %reshape3A_190 {offsets = [0, 0, 0], sizes = [64, 32, 128], strides = [1, 1, 1]} : vector<64x32x192xf32> to vector<64x32x128xf32>
      %get3A_193 = arith.constant 0 : index
      %get3A_194 = arith.index_cast %scan3A_182 : i32 to index
      %get3A_195 = arith.constant 0 : index
      %get3A_196 = vector.load %arg20[%get3A_193, %get3A_194, %get3A_195] : memref<64x50x128xf32, #tpu.memory_space<vmem>>, vector<64x1x128xf32>
      %get3A_197 = vector.shape_cast %get3A_196 : vector<64x1x128xf32> to vector<64x128xf32>
      %broadcast_in_dim3A_198 = vector.shape_cast %get3A_197 : vector<64x128xf32> to vector<64x1x128xf32>
      %add3A_199 = vector.broadcast %broadcast_in_dim3A_198 : vector<64x1x128xf32> to vector<64x32x128xf32>
      %add3A_200 = arith.addf %slice3A_192, %add3A_199 : vector<64x32x128xf32>
      %ge3A = arith.constant 0.000000e+00 : f32
      %ge3A_201 = vector.broadcast %ge3A : f32 to vector<64x32x128xf32>
      %ge3A_202 = arith.cmpf oge, %add3A_200, %ge3A_201 : vector<64x32x128xf32>
      %mul3A_203 = arith.constant 0.00999999977 : f32
      %mul3A_204 = vector.broadcast %mul3A_203 : f32 to vector<64x32x128xf32>
      %mul3A_205 = arith.mulf %mul3A_204, %add3A_200 : vector<64x32x128xf32>
      %select_n3A_206 = arith.select %ge3A_202, %add3A_200, %mul3A_205 : vector<64x32x128xi1>, vector<64x32x128xf32>
      %reshape3A_207 = vector.shape_cast %select_n3A_206 : vector<64x32x128xf32> to vector<2048x128xf32>
      %dot_general3A_208 = arith.constant dense<0.000000e+00> : vector<2048x64xf32>
      %dot_general3A_209 = tpu.matmul %reshape3A_207, %get3A_82, %dot_general3A_208 {dimension_numbers = #tpu.dot_dimension_numbers<[1], [1], [0], [0], [0, 0, 1, 0], [], []>, transpose_lhs_hint = false} : vector<2048x128xf32>, vector<64x128xf32>, vector<2048x64xf32> -> vector<2048x64xf32>
      %reshape3A_210 = vector.shape_cast %dot_general3A_209 : vector<2048x64xf32> to vector<64x32x64xf32>
      %broadcast_in_dim3A_211 = vector.shape_cast %get3A_85 : vector<1x64xf32> to vector<1x1x64xf32>
      %add3A_212 = vector.broadcast %broadcast_in_dim3A_211 : vector<1x1x64xf32> to vector<64x32x64xf32>
      %add3A_213 = arith.addf %reshape3A_210, %add3A_212 : vector<64x32x64xf32>
      %eq3A_214 = arith.constant 0.000000e+00 : f32
      %eq3A_215 = vector.broadcast %eq3A_214 : f32 to vector<64x32x64xf32>
      %eq3A_216 = arith.cmpf oeq, %slice3A_191, %eq3A_215 : vector<64x32x64xf32>
      %jit3A_217 = arith.constant -1.000000e+09 : f32
      %broadcast_in_dim3A_218 = vector.broadcast %jit3A_217 : f32 to vector<64x32x64xf32>
      %select_n3A_219 = arith.select %eq3A_216, %broadcast_in_dim3A_218, %add3A_213 : vector<64x32x64xi1>, vector<64x32x64xf32>
      %reduce_max3A = arith.constant dense<0xFF800000> : vector<64x64xf32>
      %reduce_max3A_220 = vector.multi_reduction <maximumf>, %select_n3A_219, %reduce_max3A [1] : vector<64x32x64xf32> to vector<64x64xf32>
      %broadcast_in_dim3A_221 = vector.shape_cast %reduce_max3A_220 : vector<64x64xf32> to vector<64x1x64xf32>
      %sub3A_222 = vector.broadcast %broadcast_in_dim3A_221 : vector<64x1x64xf32> to vector<64x32x64xf32>
      %sub3A_223 = arith.subf %select_n3A_219, %sub3A_222 : vector<64x32x64xf32>
      %exp3A = math.exp %sub3A_223 : vector<64x32x64xf32>
      %reduce_sum3A_224 = arith.constant dense<0.000000e+00> : vector<64x64xf32>
      %reduce_sum3A_225 = vector.multi_reduction <add>, %exp3A, %reduce_sum3A_224 [1] : vector<64x32x64xf32> to vector<64x64xf32>
      %broadcast_in_dim3A_226 = vector.shape_cast %reduce_sum3A_225 : vector<64x64xf32> to vector<64x1x64xf32>
      %div3A_227 = vector.broadcast %broadcast_in_dim3A_226 : vector<64x1x64xf32> to vector<64x32x64xf32>
      %div3A_228 = arith.divf %exp3A, %div3A_227 : vector<64x32x64xf32>
      %get3A_229 = arith.constant 0 : index
      %get3A_230 = arith.index_cast %scan3A_182 : i32 to index
      %get3A_231 = arith.constant 0 : index
      %get3A_232 = vector.load %arg21[%get3A_229, %get3A_230, %get3A_231] : memref<64x50x64xf32, #tpu.memory_space<vmem>>, vector<64x1x64xf32>
      %get3A_233 = vector.shape_cast %get3A_232 : vector<64x1x64xf32> to vector<64x64xf32>
      %broadcast_in_dim3A_234 = vector.shape_cast %get3A_233 : vector<64x64xf32> to vector<64x1x64xf32>
      %mul3A_235 = vector.broadcast %broadcast_in_dim3A_234 : vector<64x1x64xf32> to vector<64x32x64xf32>
      %mul3A_236 = arith.mulf %div3A_228, %mul3A_235 : vector<64x32x64xf32>
      %broadcast_in_dim3A_237 = arith.constant 0.000000e+00 : f32
      %broadcast_in_dim3A_238 = vector.broadcast %broadcast_in_dim3A_237 : f32 to vector<64x32x4xf32>
      %concatenate3A_239 = tpu.concatenate %mul3A_236, %broadcast_in_dim3A_238 in 2 : vector<64x32x64xf32>, vector<64x32x4xf32> -> vector<64x32x68xf32>
      %sub3A_240 = arith.subf %get3A_186, %concatenate3A_239 : vector<64x32x68xf32>
      %max3A_241 = arith.constant 0.000000e+00 : f32
      %max3A_242 = vector.broadcast %max3A_241 : f32 to vector<64x32x68xf32>
      %max3A_243 = arith.maximumf %sub3A_240, %max3A_242 : vector<64x32x68xf32>
      %swap3A_244 = arith.constant 0 : index
      %swap3A_245 = arith.constant 0 : index
      %swap3A_246 = arith.constant 0 : index
      %swap3A_247 = vector.load %arg18[%swap3A_244, %swap3A_245, %swap3A_246] : memref<64x51x68xf32, #tpu.memory_space<vmem>>, vector<64x32x68xf32>
      tpu.vector_store %arg18[%swap3A_244, %swap3A_245, %swap3A_246], %max3A_243 {strides = array<i32>} : memref<64x51x68xf32, #tpu.memory_space<vmem>>, vector<64x32x68xf32>,
      %get3A_248 = arith.constant 0 : index
      %get3A_249 = arith.index_cast %scan3A_182 : i32 to index
      %get3A_250 = arith.constant 0 : index
      %get3A_251 = vector.load %arg19[%get3A_248, %get3A_249, %get3A_250] : memref<64x50x68xf32, #tpu.memory_space<vmem>>, vector<64x1x68xf32>
      %add3A_252 = arith.constant 1 : i32
      %add3A_253 = arith.addi %scan3A_182, %add3A_252 : i32
      %swap3A_254 = arith.constant 0 : index
      %swap3A_255 = arith.index_cast %add3A_253 : i32 to index
      %swap3A_256 = arith.constant 0 : index
      %swap3A_257 = vector.load %arg18[%swap3A_254, %swap3A_255, %swap3A_256] : memref<64x51x68xf32, #tpu.memory_space<vmem>>, vector<64x1x68xf32>
      tpu.vector_store %arg18[%swap3A_254, %swap3A_255, %swap3A_256], %get3A_251 {strides = array<i32>} : memref<64x51x68xf32, #tpu.memory_space<vmem>>, vector<64x1x68xf32>,
    }
    %scan3A_104 = arith.constant 8 : i32
    %scan3A_105 = arith.constant 31 : i32
    %scan3A_106 = arith.constant 8 : i32
    %scan3A_107 = arith.addi %scan3A_105, %scan3A_106 : i32
    %scan3A_108 = arith.constant 1 : i32
    scf.for %scan3A_182 = %scan3A_105 to %scan3A_107 step %scan3A_108  : i32 {
      %get3A_183 = arith.constant 0 : index
      %get3A_184 = arith.constant 0 : index
      %get3A_185 = arith.constant 0 : index
      %get3A_186 = vector.load %arg18[%get3A_183, %get3A_184, %get3A_185] : memref<64x51x68xf32, #tpu.memory_space<vmem>>, vector<64x40x68xf32>
      %reshape3A_187 = vector.shape_cast %get3A_186 : vector<64x40x68xf32> to vector<2560x68xf32>
      %dot_general3A_188 = arith.constant dense<0.000000e+00> : vector<2560x192xf32>
      %dot_general3A_189 = tpu.matmul %reshape3A_187, %concatenate3A, %dot_general3A_188 {dimension_numbers = #tpu.dot_dimension_numbers<[1], [1], [0], [0], [0, 0, 1, 0], [], []>, transpose_lhs_hint = false} : vector<2560x68xf32>, vector<192x68xf32>, vector<2560x192xf32> -> vector<2560x192xf32>
      %reshape3A_190 = vector.shape_cast %dot_general3A_189 : vector<2560x192xf32> to vector<64x40x192xf32>
      %slice3A_191 = vector.extract_strided_slice %reshape3A_190 {offsets = [0, 0, 128], sizes = [64, 40, 64], strides = [1, 1, 1]} : vector<64x40x192xf32> to vector<64x40x64xf32>
      %slice3A_192 = vector.extract_strided_slice %reshape3A_190 {offsets = [0, 0, 0], sizes = [64, 40, 128], strides = [1, 1, 1]} : vector<64x40x192xf32> to vector<64x40x128xf32>
      %get3A_193 = arith.constant 0 : index
      %get3A_194 = arith.index_cast %scan3A_182 : i32 to index
      %get3A_195 = arith.constant 0 : index
      %get3A_196 = vector.load %arg20[%get3A_193, %get3A_194, %get3A_195] : memref<64x50x128xf32, #tpu.memory_space<vmem>>, vector<64x1x128xf32>
      %get3A_197 = vector.shape_cast %get3A_196 : vector<64x1x128xf32> to vector<64x128xf32>
      %broadcast_in_dim3A_198 = vector.shape_cast %get3A_197 : vector<64x128xf32> to vector<64x1x128xf32>
      %add3A_199 = vector.broadcast %broadcast_in_dim3A_198 : vector<64x1x128xf32> to vector<64x40x128xf32>
      %add3A_200 = arith.addf %slice3A_192, %add3A_199 : vector<64x40x128xf32>
      %ge3A = arith.constant 0.000000e+00 : f32
      %ge3A_201 = vector.broadcast %ge3A : f32 to vector<64x40x128xf32>
      %ge3A_202 = arith.cmpf oge, %add3A_200, %ge3A_201 : vector<64x40x128xf32>
      %mul3A_203 = arith.constant 0.00999999977 : f32
      %mul3A_204 = vector.broadcast %mul3A_203 : f32 to vector<64x40x128xf32>
      %mul3A_205 = arith.mulf %mul3A_204, %add3A_200 : vector<64x40x128xf32>
      %select_n3A_206 = arith.select %ge3A_202, %add3A_200, %mul3A_205 : vector<64x40x128xi1>, vector<64x40x128xf32>
      %reshape3A_207 = vector.shape_cast %select_n3A_206 : vector<64x40x128xf32> to vector<2560x128xf32>
      %dot_general3A_208 = arith.constant dense<0.000000e+00> : vector<2560x64xf32>
      %dot_general3A_209 = tpu.matmul %reshape3A_207, %get3A_82, %dot_general3A_208 {dimension_numbers = #tpu.dot_dimension_numbers<[1], [1], [0], [0], [0, 0, 1, 0], [], []>, transpose_lhs_hint = false} : vector<2560x128xf32>, vector<64x128xf32>, vector<2560x64xf32> -> vector<2560x64xf32>
      %reshape3A_210 = vector.shape_cast %dot_general3A_209 : vector<2560x64xf32> to vector<64x40x64xf32>
      %broadcast_in_dim3A_211 = vector.shape_cast %get3A_85 : vector<1x64xf32> to vector<1x1x64xf32>
      %add3A_212 = vector.broadcast %broadcast_in_dim3A_211 : vector<1x1x64xf32> to vector<64x40x64xf32>
      %add3A_213 = arith.addf %reshape3A_210, %add3A_212 : vector<64x40x64xf32>
      %eq3A_214 = arith.constant 0.000000e+00 : f32
      %eq3A_215 = vector.broadcast %eq3A_214 : f32 to vector<64x40x64xf32>
      %eq3A_216 = arith.cmpf oeq, %slice3A_191, %eq3A_215 : vector<64x40x64xf32>
      %jit3A_217 = arith.constant -1.000000e+09 : f32
      %broadcast_in_dim3A_218 = vector.broadcast %jit3A_217 : f32 to vector<64x40x64xf32>
      %select_n3A_219 = arith.select %eq3A_216, %broadcast_in_dim3A_218, %add3A_213 : vector<64x40x64xi1>, vector<64x40x64xf32>
      %reduce_max3A = arith.constant dense<0xFF800000> : vector<64x64xf32>
      %reduce_max3A_220 = vector.multi_reduction <maximumf>, %select_n3A_219, %reduce_max3A [1] : vector<64x40x64xf32> to vector<64x64xf32>
      %broadcast_in_dim3A_221 = vector.shape_cast %reduce_max3A_220 : vector<64x64xf32> to vector<64x1x64xf32>
      %sub3A_222 = vector.broadcast %broadcast_in_dim3A_221 : vector<64x1x64xf32> to vector<64x40x64xf32>
      %sub3A_223 = arith.subf %select_n3A_219, %sub3A_222 : vector<64x40x64xf32>
      %exp3A = math.exp %sub3A_223 : vector<64x40x64xf32>
      %reduce_sum3A_224 = arith.constant dense<0.000000e+00> : vector<64x64xf32>
      %reduce_sum3A_225 = vector.multi_reduction <add>, %exp3A, %reduce_sum3A_224 [1] : vector<64x40x64xf32> to vector<64x64xf32>
      %broadcast_in_dim3A_226 = vector.shape_cast %reduce_sum3A_225 : vector<64x64xf32> to vector<64x1x64xf32>
      %div3A_227 = vector.broadcast %broadcast_in_dim3A_226 : vector<64x1x64xf32> to vector<64x40x64xf32>
      %div3A_228 = arith.divf %exp3A, %div3A_227 : vector<64x40x64xf32>
      %get3A_229 = arith.constant 0 : index
      %get3A_230 = arith.index_cast %scan3A_182 : i32 to index
      %get3A_231 = arith.constant 0 : index
      %get3A_232 = vector.load %arg21[%get3A_229, %get3A_230, %get3A_231] : memref<64x50x64xf32, #tpu.memory_space<vmem>>, vector<64x1x64xf32>
      %get3A_233 = vector.shape_cast %get3A_232 : vector<64x1x64xf32> to vector<64x64xf32>
      %broadcast_in_dim3A_234 = vector.shape_cast %get3A_233 : vector<64x64xf32> to vector<64x1x64xf32>
      %mul3A_235 = vector.broadcast %broadcast_in_dim3A_234 : vector<64x1x64xf32> to vector<64x40x64xf32>
      %mul3A_236 = arith.mulf %div3A_228, %mul3A_235 : vector<64x40x64xf32>
      %broadcast_in_dim3A_237 = arith.constant 0.000000e+00 : f32
      %broadcast_in_dim3A_238 = vector.broadcast %broadcast_in_dim3A_237 : f32 to vector<64x40x4xf32>
      %concatenate3A_239 = tpu.concatenate %mul3A_236, %broadcast_in_dim3A_238 in 2 : vector<64x40x64xf32>, vector<64x40x4xf32> -> vector<64x40x68xf32>
      %sub3A_240 = arith.subf %get3A_186, %concatenate3A_239 : vector<64x40x68xf32>
      %max3A_241 = arith.constant 0.000000e+00 : f32
      %max3A_242 = vector.broadcast %max3A_241 : f32 to vector<64x40x68xf32>
      %max3A_243 = arith.maximumf %sub3A_240, %max3A_242 : vector<64x40x68xf32>
      %swap3A_244 = arith.constant 0 : index
      %swap3A_245 = arith.constant 0 : index
      %swap3A_246 = arith.constant 0 : index
      %swap3A_247 = vector.load %arg18[%swap3A_244, %swap3A_245, %swap3A_246] : memref<64x51x68xf32, #tpu.memory_space<vmem>>, vector<64x40x68xf32>
      tpu.vector_store %arg18[%swap3A_244, %swap3A_245, %swap3A_246], %max3A_243 {strides = array<i32>} : memref<64x51x68xf32, #tpu.memory_space<vmem>>, vector<64x40x68xf32>,
      %get3A_248 = arith.constant 0 : index
      %get3A_249 = arith.index_cast %scan3A_182 : i32 to index
      %get3A_250 = arith.constant 0 : index
      %get3A_251 = vector.load %arg19[%get3A_248, %get3A_249, %get3A_250] : memref<64x50x68xf32, #tpu.memory_space<vmem>>, vector<64x1x68xf32>
      %add3A_252 = arith.constant 1 : i32
      %add3A_253 = arith.addi %scan3A_182, %add3A_252 : i32
      %swap3A_254 = arith.constant 0 : index
      %swap3A_255 = arith.index_cast %add3A_253 : i32 to index
      %swap3A_256 = arith.constant 0 : index
      %swap3A_257 = vector.load %arg18[%swap3A_254, %swap3A_255, %swap3A_256] : memref<64x51x68xf32, #tpu.memory_space<vmem>>, vector<64x1x68xf32>
      tpu.vector_store %arg18[%swap3A_254, %swap3A_255, %swap3A_256], %get3A_251 {strides = array<i32>} : memref<64x51x68xf32, #tpu.memory_space<vmem>>, vector<64x1x68xf32>,
    }
    %scan3A_109 = arith.constant 8 : i32
    %scan3A_110 = arith.constant 39 : i32
    %scan3A_111 = arith.constant 8 : i32
    %scan3A_112 = arith.addi %scan3A_110, %scan3A_111 : i32
    %scan3A_113 = arith.constant 1 : i32
    scf.for %scan3A_182 = %scan3A_110 to %scan3A_112 step %scan3A_113  : i32 {
      %get3A_183 = arith.constant 0 : index
      %get3A_184 = arith.constant 0 : index
      %get3A_185 = arith.constant 0 : index
      %get3A_186 = vector.load %arg18[%get3A_183, %get3A_184, %get3A_185] : memref<64x51x68xf32, #tpu.memory_space<vmem>>, vector<64x48x68xf32>
      %reshape3A_187 = vector.shape_cast %get3A_186 : vector<64x48x68xf32> to vector<3072x68xf32>
      %dot_general3A_188 = arith.constant dense<0.000000e+00> : vector<3072x192xf32>
      %dot_general3A_189 = tpu.matmul %reshape3A_187, %concatenate3A, %dot_general3A_188 {dimension_numbers = #tpu.dot_dimension_numbers<[1], [1], [0], [0], [0, 0, 1, 0], [], []>, transpose_lhs_hint = false} : vector<3072x68xf32>, vector<192x68xf32>, vector<3072x192xf32> -> vector<3072x192xf32>
      %reshape3A_190 = vector.shape_cast %dot_general3A_189 : vector<3072x192xf32> to vector<64x48x192xf32>
      %slice3A_191 = vector.extract_strided_slice %reshape3A_190 {offsets = [0, 0, 128], sizes = [64, 48, 64], strides = [1, 1, 1]} : vector<64x48x192xf32> to vector<64x48x64xf32>
      %slice3A_192 = vector.extract_strided_slice %reshape3A_190 {offsets = [0, 0, 0], sizes = [64, 48, 128], strides = [1, 1, 1]} : vector<64x48x192xf32> to vector<64x48x128xf32>
      %get3A_193 = arith.constant 0 : index
      %get3A_194 = arith.index_cast %scan3A_182 : i32 to index
      %get3A_195 = arith.constant 0 : index
      %get3A_196 = vector.load %arg20[%get3A_193, %get3A_194, %get3A_195] : memref<64x50x128xf32, #tpu.memory_space<vmem>>, vector<64x1x128xf32>
      %get3A_197 = vector.shape_cast %get3A_196 : vector<64x1x128xf32> to vector<64x128xf32>
      %broadcast_in_dim3A_198 = vector.shape_cast %get3A_197 : vector<64x128xf32> to vector<64x1x128xf32>
      %add3A_199 = vector.broadcast %broadcast_in_dim3A_198 : vector<64x1x128xf32> to vector<64x48x128xf32>
      %add3A_200 = arith.addf %slice3A_192, %add3A_199 : vector<64x48x128xf32>
      %ge3A = arith.constant 0.000000e+00 : f32
      %ge3A_201 = vector.broadcast %ge3A : f32 to vector<64x48x128xf32>
      %ge3A_202 = arith.cmpf oge, %add3A_200, %ge3A_201 : vector<64x48x128xf32>
      %mul3A_203 = arith.constant 0.00999999977 : f32
      %mul3A_204 = vector.broadcast %mul3A_203 : f32 to vector<64x48x128xf32>
      %mul3A_205 = arith.mulf %mul3A_204, %add3A_200 : vector<64x48x128xf32>
      %select_n3A_206 = arith.select %ge3A_202, %add3A_200, %mul3A_205 : vector<64x48x128xi1>, vector<64x48x128xf32>
      %reshape3A_207 = vector.shape_cast %select_n3A_206 : vector<64x48x128xf32> to vector<3072x128xf32>
      %dot_general3A_208 = arith.constant dense<0.000000e+00> : vector<3072x64xf32>
      %dot_general3A_209 = tpu.matmul %reshape3A_207, %get3A_82, %dot_general3A_208 {dimension_numbers = #tpu.dot_dimension_numbers<[1], [1], [0], [0], [0, 0, 1, 0], [], []>, transpose_lhs_hint = false} : vector<3072x128xf32>, vector<64x128xf32>, vector<3072x64xf32> -> vector<3072x64xf32>
      %reshape3A_210 = vector.shape_cast %dot_general3A_209 : vector<3072x64xf32> to vector<64x48x64xf32>
      %broadcast_in_dim3A_211 = vector.shape_cast %get3A_85 : vector<1x64xf32> to vector<1x1x64xf32>
      %add3A_212 = vector.broadcast %broadcast_in_dim3A_211 : vector<1x1x64xf32> to vector<64x48x64xf32>
      %add3A_213 = arith.addf %reshape3A_210, %add3A_212 : vector<64x48x64xf32>
      %eq3A_214 = arith.constant 0.000000e+00 : f32
      %eq3A_215 = vector.broadcast %eq3A_214 : f32 to vector<64x48x64xf32>
      %eq3A_216 = arith.cmpf oeq, %slice3A_191, %eq3A_215 : vector<64x48x64xf32>
      %jit3A_217 = arith.constant -1.000000e+09 : f32
      %broadcast_in_dim3A_218 = vector.broadcast %jit3A_217 : f32 to vector<64x48x64xf32>
      %select_n3A_219 = arith.select %eq3A_216, %broadcast_in_dim3A_218, %add3A_213 : vector<64x48x64xi1>, vector<64x48x64xf32>
      %reduce_max3A = arith.constant dense<0xFF800000> : vector<64x64xf32>
      %reduce_max3A_220 = vector.multi_reduction <maximumf>, %select_n3A_219, %reduce_max3A [1] : vector<64x48x64xf32> to vector<64x64xf32>
      %broadcast_in_dim3A_221 = vector.shape_cast %reduce_max3A_220 : vector<64x64xf32> to vector<64x1x64xf32>
      %sub3A_222 = vector.broadcast %broadcast_in_dim3A_221 : vector<64x1x64xf32> to vector<64x48x64xf32>
      %sub3A_223 = arith.subf %select_n3A_219, %sub3A_222 : vector<64x48x64xf32>
      %exp3A = math.exp %sub3A_223 : vector<64x48x64xf32>
      %reduce_sum3A_224 = arith.constant dense<0.000000e+00> : vector<64x64xf32>
      %reduce_sum3A_225 = vector.multi_reduction <add>, %exp3A, %reduce_sum3A_224 [1] : vector<64x48x64xf32> to vector<64x64xf32>
      %broadcast_in_dim3A_226 = vector.shape_cast %reduce_sum3A_225 : vector<64x64xf32> to vector<64x1x64xf32>
      %div3A_227 = vector.broadcast %broadcast_in_dim3A_226 : vector<64x1x64xf32> to vector<64x48x64xf32>
      %div3A_228 = arith.divf %exp3A, %div3A_227 : vector<64x48x64xf32>
      %get3A_229 = arith.constant 0 : index
      %get3A_230 = arith.index_cast %scan3A_182 : i32 to index
      %get3A_231 = arith.constant 0 : index
      %get3A_232 = vector.load %arg21[%get3A_229, %get3A_230, %get3A_231] : memref<64x50x64xf32, #tpu.memory_space<vmem>>, vector<64x1x64xf32>
      %get3A_233 = vector.shape_cast %get3A_232 : vector<64x1x64xf32> to vector<64x64xf32>
      %broadcast_in_dim3A_234 = vector.shape_cast %get3A_233 : vector<64x64xf32> to vector<64x1x64xf32>
      %mul3A_235 = vector.broadcast %broadcast_in_dim3A_234 : vector<64x1x64xf32> to vector<64x48x64xf32>
      %mul3A_236 = arith.mulf %div3A_228, %mul3A_235 : vector<64x48x64xf32>
      %broadcast_in_dim3A_237 = arith.constant 0.000000e+00 : f32
      %broadcast_in_dim3A_238 = vector.broadcast %broadcast_in_dim3A_237 : f32 to vector<64x48x4xf32>
      %concatenate3A_239 = tpu.concatenate %mul3A_236, %broadcast_in_dim3A_238 in 2 : vector<64x48x64xf32>, vector<64x48x4xf32> -> vector<64x48x68xf32>
      %sub3A_240 = arith.subf %get3A_186, %concatenate3A_239 : vector<64x48x68xf32>
      %max3A_241 = arith.constant 0.000000e+00 : f32
      %max3A_242 = vector.broadcast %max3A_241 : f32 to vector<64x48x68xf32>
      %max3A_243 = arith.maximumf %sub3A_240, %max3A_242 : vector<64x48x68xf32>
      %swap3A_244 = arith.constant 0 : index
      %swap3A_245 = arith.constant 0 : index
      %swap3A_246 = arith.constant 0 : index
      %swap3A_247 = vector.load %arg18[%swap3A_244, %swap3A_245, %swap3A_246] : memref<64x51x68xf32, #tpu.memory_space<vmem>>, vector<64x48x68xf32>
      tpu.vector_store %arg18[%swap3A_244, %swap3A_245, %swap3A_246], %max3A_243 {strides = array<i32>} : memref<64x51x68xf32, #tpu.memory_space<vmem>>, vector<64x48x68xf32>,
      %get3A_248 = arith.constant 0 : index
      %get3A_249 = arith.index_cast %scan3A_182 : i32 to index
      %get3A_250 = arith.constant 0 : index
      %get3A_251 = vector.load %arg19[%get3A_248, %get3A_249, %get3A_250] : memref<64x50x68xf32, #tpu.memory_space<vmem>>, vector<64x1x68xf32>
      %add3A_252 = arith.constant 1 : i32
      %add3A_253 = arith.addi %scan3A_182, %add3A_252 : i32
      %swap3A_254 = arith.constant 0 : index
      %swap3A_255 = arith.index_cast %add3A_253 : i32 to index
      %swap3A_256 = arith.constant 0 : index
      %swap3A_257 = vector.load %arg18[%swap3A_254, %swap3A_255, %swap3A_256] : memref<64x51x68xf32, #tpu.memory_space<vmem>>, vector<64x1x68xf32>
      tpu.vector_store %arg18[%swap3A_254, %swap3A_255, %swap3A_256], %get3A_251 {strides = array<i32>} : memref<64x51x68xf32, #tpu.memory_space<vmem>>, vector<64x1x68xf32>,
    }
    %scan3A_114 = arith.constant 8 : i32
    %scan3A_115 = arith.constant 47 : i32
    %scan3A_116 = arith.constant 3 : i32
    %scan3A_117 = arith.addi %scan3A_115, %scan3A_116 : i32
    %scan3A_118 = arith.constant 1 : i32
    scf.for %scan3A_182 = %scan3A_115 to %scan3A_117 step %scan3A_118  : i32 {
      %get3A_183 = arith.constant 0 : index
      %get3A_184 = arith.constant 0 : index
      %get3A_185 = arith.constant 0 : index
      %get3A_186 = vector.load %arg18[%get3A_183, %get3A_184, %get3A_185] : memref<64x51x68xf32, #tpu.memory_space<vmem>>, vector<64x51x68xf32>
      %reshape3A_187 = vector.shape_cast %get3A_186 : vector<64x51x68xf32> to vector<3264x68xf32>
      %dot_general3A_188 = arith.constant dense<0.000000e+00> : vector<3264x192xf32>
      %dot_general3A_189 = tpu.matmul %reshape3A_187, %concatenate3A, %dot_general3A_188 {dimension_numbers = #tpu.dot_dimension_numbers<[1], [1], [0], [0], [0, 0, 1, 0], [], []>, transpose_lhs_hint = false} : vector<3264x68xf32>, vector<192x68xf32>, vector<3264x192xf32> -> vector<3264x192xf32>
      %reshape3A_190 = vector.shape_cast %dot_general3A_189 : vector<3264x192xf32> to vector<64x51x192xf32>
      %slice3A_191 = vector.extract_strided_slice %reshape3A_190 {offsets = [0, 0, 128], sizes = [64, 51, 64], strides = [1, 1, 1]} : vector<64x51x192xf32> to vector<64x51x64xf32>
      %slice3A_192 = vector.extract_strided_slice %reshape3A_190 {offsets = [0, 0, 0], sizes = [64, 51, 128], strides = [1, 1, 1]} : vector<64x51x192xf32> to vector<64x51x128xf32>
      %get3A_193 = arith.constant 0 : index
      %get3A_194 = arith.index_cast %scan3A_182 : i32 to index
      %get3A_195 = arith.constant 0 : index
      %get3A_196 = vector.load %arg20[%get3A_193, %get3A_194, %get3A_195] : memref<64x50x128xf32, #tpu.memory_space<vmem>>, vector<64x1x128xf32>
      %get3A_197 = vector.shape_cast %get3A_196 : vector<64x1x128xf32> to vector<64x128xf32>
      %broadcast_in_dim3A_198 = vector.shape_cast %get3A_197 : vector<64x128xf32> to vector<64x1x128xf32>
      %add3A_199 = vector.broadcast %broadcast_in_dim3A_198 : vector<64x1x128xf32> to vector<64x51x128xf32>
      %add3A_200 = arith.addf %slice3A_192, %add3A_199 : vector<64x51x128xf32>
      %ge3A = arith.constant 0.000000e+00 : f32
      %ge3A_201 = vector.broadcast %ge3A : f32 to vector<64x51x128xf32>
      %ge3A_202 = arith.cmpf oge, %add3A_200, %ge3A_201 : vector<64x51x128xf32>
      %mul3A_203 = arith.constant 0.00999999977 : f32
      %mul3A_204 = vector.broadcast %mul3A_203 : f32 to vector<64x51x128xf32>
      %mul3A_205 = arith.mulf %mul3A_204, %add3A_200 : vector<64x51x128xf32>
      %select_n3A_206 = arith.select %ge3A_202, %add3A_200, %mul3A_205 : vector<64x51x128xi1>, vector<64x51x128xf32>
      %reshape3A_207 = vector.shape_cast %select_n3A_206 : vector<64x51x128xf32> to vector<3264x128xf32>
      %dot_general3A_208 = arith.constant dense<0.000000e+00> : vector<3264x64xf32>
      %dot_general3A_209 = tpu.matmul %reshape3A_207, %get3A_82, %dot_general3A_208 {dimension_numbers = #tpu.dot_dimension_numbers<[1], [1], [0], [0], [0, 0, 1, 0], [], []>, transpose_lhs_hint = false} : vector<3264x128xf32>, vector<64x128xf32>, vector<3264x64xf32> -> vector<3264x64xf32>
      %reshape3A_210 = vector.shape_cast %dot_general3A_209 : vector<3264x64xf32> to vector<64x51x64xf32>
      %broadcast_in_dim3A_211 = vector.shape_cast %get3A_85 : vector<1x64xf32> to vector<1x1x64xf32>
      %add3A_212 = vector.broadcast %broadcast_in_dim3A_211 : vector<1x1x64xf32> to vector<64x51x64xf32>
      %add3A_213 = arith.addf %reshape3A_210, %add3A_212 : vector<64x51x64xf32>
      %eq3A_214 = arith.constant 0.000000e+00 : f32
      %eq3A_215 = vector.broadcast %eq3A_214 : f32 to vector<64x51x64xf32>
      %eq3A_216 = arith.cmpf oeq, %slice3A_191, %eq3A_215 : vector<64x51x64xf32>
      %jit3A_217 = arith.constant -1.000000e+09 : f32
      %broadcast_in_dim3A_218 = vector.broadcast %jit3A_217 : f32 to vector<64x51x64xf32>
      %select_n3A_219 = arith.select %eq3A_216, %broadcast_in_dim3A_218, %add3A_213 : vector<64x51x64xi1>, vector<64x51x64xf32>
      %reduce_max3A = arith.constant dense<0xFF800000> : vector<64x64xf32>
      %reduce_max3A_220 = vector.multi_reduction <maximumf>, %select_n3A_219, %reduce_max3A [1] : vector<64x51x64xf32> to vector<64x64xf32>
      %broadcast_in_dim3A_221 = vector.shape_cast %reduce_max3A_220 : vector<64x64xf32> to vector<64x1x64xf32>
      %sub3A_222 = vector.broadcast %broadcast_in_dim3A_221 : vector<64x1x64xf32> to vector<64x51x64xf32>
      %sub3A_223 = arith.subf %select_n3A_219, %sub3A_222 : vector<64x51x64xf32>
      %exp3A = math.exp %sub3A_223 : vector<64x51x64xf32>
      %reduce_sum3A_224 = arith.constant dense<0.000000e+00> : vector<64x64xf32>
      %reduce_sum3A_225 = vector.multi_reduction <add>, %exp3A, %reduce_sum3A_224 [1] : vector<64x51x64xf32> to vector<64x64xf32>
      %broadcast_in_dim3A_226 = vector.shape_cast %reduce_sum3A_225 : vector<64x64xf32> to vector<64x1x64xf32>
      %div3A_227 = vector.broadcast %broadcast_in_dim3A_226 : vector<64x1x64xf32> to vector<64x51x64xf32>
      %div3A_228 = arith.divf %exp3A, %div3A_227 : vector<64x51x64xf32>
      %get3A_229 = arith.constant 0 : index
      %get3A_230 = arith.index_cast %scan3A_182 : i32 to index
      %get3A_231 = arith.constant 0 : index
      %get3A_232 = vector.load %arg21[%get3A_229, %get3A_230, %get3A_231] : memref<64x50x64xf32, #tpu.memory_space<vmem>>, vector<64x1x64xf32>
      %get3A_233 = vector.shape_cast %get3A_232 : vector<64x1x64xf32> to vector<64x64xf32>
      %broadcast_in_dim3A_234 = vector.shape_cast %get3A_233 : vector<64x64xf32> to vector<64x1x64xf32>
      %mul3A_235 = vector.broadcast %broadcast_in_dim3A_234 : vector<64x1x64xf32> to vector<64x51x64xf32>
      %mul3A_236 = arith.mulf %div3A_228, %mul3A_235 : vector<64x51x64xf32>
      %broadcast_in_dim3A_237 = arith.constant 0.000000e+00 : f32
      %broadcast_in_dim3A_238 = vector.broadcast %broadcast_in_dim3A_237 : f32 to vector<64x51x4xf32>
      %concatenate3A_239 = tpu.concatenate %mul3A_236, %broadcast_in_dim3A_238 in 2 : vector<64x51x64xf32>, vector<64x51x4xf32> -> vector<64x51x68xf32>
      %sub3A_240 = arith.subf %get3A_186, %concatenate3A_239 : vector<64x51x68xf32>
      %max3A_241 = arith.constant 0.000000e+00 : f32
      %max3A_242 = vector.broadcast %max3A_241 : f32 to vector<64x51x68xf32>
      %max3A_243 = arith.maximumf %sub3A_240, %max3A_242 : vector<64x51x68xf32>
      %swap3A_244 = arith.constant 0 : index
      %swap3A_245 = arith.constant 0 : index
      %swap3A_246 = arith.constant 0 : index
      %swap3A_247 = vector.load %arg18[%swap3A_244, %swap3A_245, %swap3A_246] : memref<64x51x68xf32, #tpu.memory_space<vmem>>, vector<64x51x68xf32>
      tpu.vector_store %arg18[%swap3A_244, %swap3A_245, %swap3A_246], %max3A_243 {strides = array<i32>} : memref<64x51x68xf32, #tpu.memory_space<vmem>>, vector<64x51x68xf32>,
      %get3A_248 = arith.constant 0 : index
      %get3A_249 = arith.index_cast %scan3A_182 : i32 to index
      %get3A_250 = arith.constant 0 : index
      %get3A_251 = vector.load %arg19[%get3A_248, %get3A_249, %get3A_250] : memref<64x50x68xf32, #tpu.memory_space<vmem>>, vector<64x1x68xf32>
      %add3A_252 = arith.constant 1 : i32
      %add3A_253 = arith.addi %scan3A_182, %add3A_252 : i32
      %swap3A_254 = arith.constant 0 : index
      %swap3A_255 = arith.index_cast %add3A_253 : i32 to index
      %swap3A_256 = arith.constant 0 : index
      %swap3A_257 = vector.load %arg18[%swap3A_254, %swap3A_255, %swap3A_256] : memref<64x51x68xf32, #tpu.memory_space<vmem>>, vector<64x1x68xf32>
      tpu.vector_store %arg18[%swap3A_254, %swap3A_255, %swap3A_256], %get3A_251 {strides = array<i32>} : memref<64x51x68xf32, #tpu.memory_space<vmem>>, vector<64x1x68xf32>,
    }
    %scan3A_119 = arith.constant 3 : i32
    %get3A_120 = arith.constant 0 : index
    %get3A_121 = arith.constant 0 : index
    %get3A_122 = arith.constant 0 : index
    %get3A_123 = vector.load %arg18[%get3A_120, %get3A_121, %get3A_122] : memref<64x51x68xf32, #tpu.memory_space<vmem>>, vector<64x51x68xf32>
    %reshape3A_124 = vector.shape_cast %get3A_123 : vector<64x51x68xf32> to vector<3264x68xf32>
    %broadcast_in_dim3A_125 = arith.constant 1.000000e+00 : f32
    %broadcast_in_dim3A_126 = vector.broadcast %broadcast_in_dim3A_125 : f32 to vector<68x128xf32>
    %dot_general3A_127 = arith.constant dense<0.000000e+00> : vector<3264x128xf32>
    %dot_general3A_128 = tpu.matmul %reshape3A_124, %broadcast_in_dim3A_126, %dot_general3A_127 {dimension_numbers = #tpu.dot_dimension_numbers<[1], [0], [0], [1], [0, 0, 1, 1], [], []>, transpose_lhs_hint = false} : vector<3264x68xf32>, vector<68x128xf32>, vector<3264x128xf32> -> vector<3264x128xf32>
    %reshape3A_129 = vector.shape_cast %dot_general3A_128 : vector<3264x128xf32> to vector<64x51x128xf32>
    %eq3A_130 = arith.constant 0.000000e+00 : f32
    %eq3A_131 = vector.broadcast %eq3A_130 : f32 to vector<64x51x128xf32>
    %eq3A_132 = arith.cmpf oeq, %reshape3A_129, %eq3A_131 : vector<64x51x128xf32>
    %convert_element_type3A_133 = arith.extui %eq3A_132 : vector<64x51x128xi1> to vector<64x51x128xi32>
    %convert_element_type3A_134 = arith.sitofp %convert_element_type3A_133 : vector<64x51x128xi32> to vector<64x51x128xf32>
    %reduce_sum3A = arith.constant dense<0.000000e+00> : vector<64x128xf32>
    %reduce_sum3A_135 = vector.multi_reduction <add>, %convert_element_type3A_134, %reduce_sum3A [1] : vector<64x51x128xf32> to vector<64x128xf32>
    %iota3A_136 = tpu.iota {dimensions = array<i32: 1>} : vector<64x3264xi32>
    %iota3A_137 = tpu.iota {dimensions = array<i32: 0>} : vector<64x3264xi32>
    %jit3A = arith.constant 51 : i32
    %div3A = vector.broadcast %jit3A : i32 to vector<64x3264xi32>
    %div3A_138 = arith.divsi %iota3A_136, %div3A : vector<64x3264xi32>
    %sign3A = arith.constant 0 : i32
    %sign3A_139 = vector.broadcast %sign3A : i32 to vector<64x3264xi32>
    %sign3A_140 = arith.cmpi sgt, %iota3A_136, %sign3A_139 : vector<64x3264xi32>
    %sign3A_141 = arith.extui %sign3A_140 : vector<64x3264xi1> to vector<64x3264xi32>
    %sign3A_142 = arith.constant 0 : i32
    %sign3A_143 = vector.broadcast %sign3A_142 : i32 to vector<64x3264xi32>
    %sign3A_144 = arith.cmpi slt, %iota3A_136, %sign3A_143 : vector<64x3264xi32>
    %sign3A_145 = arith.extui %sign3A_144 : vector<64x3264xi1> to vector<64x3264xi32>
    %sign3A_146 = arith.subi %sign3A_141, %sign3A_145 : vector<64x3264xi32>
    %sign3A_147 = arith.constant 0 : i32
    %sign3A_148 = arith.cmpi sgt, %jit3A, %sign3A_147 : i32
    %sign3A_149 = arith.extui %sign3A_148 : i1 to i32
    %sign3A_150 = arith.constant 0 : i32
    %sign3A_151 = arith.cmpi slt, %jit3A, %sign3A_150 : i32
    %sign3A_152 = arith.extui %sign3A_151 : i1 to i32
    %sign3A_153 = arith.subi %sign3A_149, %sign3A_152 : i32
    %ne3A = vector.broadcast %sign3A_153 : i32 to vector<64x3264xi32>
    %ne3A_154 = arith.cmpi ne, %sign3A_146, %ne3A : vector<64x3264xi32>
    %rem3A = vector.broadcast %jit3A : i32 to vector<64x3264xi32>
    %rem3A_155 = arith.remsi %iota3A_136, %rem3A : vector<64x3264xi32>
    %ne3A_156 = arith.constant 0 : i32
    %ne3A_157 = vector.broadcast %ne3A_156 : i32 to vector<64x3264xi32>
    %ne3A_158 = arith.cmpi ne, %rem3A_155, %ne3A_157 : vector<64x3264xi32>
    %and3A = arith.andi %ne3A_154, %ne3A_158 : vector<64x3264xi1>
    %sub3A_159 = arith.constant 1 : i32
    %sub3A_160 = vector.broadcast %sub3A_159 : i32 to vector<64x3264xi32>
    %sub3A_161 = arith.subi %div3A_138, %sub3A_160 : vector<64x3264xi32>
    %select_n3A = arith.select %and3A, %sub3A_161, %div3A_138 : vector<64x3264xi1>, vector<64x3264xi32>
    %eq3A_162 = arith.cmpi eq, %select_n3A, %iota3A_137 : vector<64x3264xi32>
    %convert_element_type3A_163 = arith.extui %eq3A_162 : vector<64x3264xi1> to vector<64x3264xi32>
    %convert_element_type3A_164 = arith.sitofp %convert_element_type3A_163 : vector<64x3264xi32> to vector<64x3264xf32>
    %get3A_165 = arith.constant 0 : index
    %get3A_166 = arith.constant 0 : index
    %get3A_167 = vector.load %arg13[%get3A_165, %get3A_166] : memref<1x128xf32, #tpu.memory_space<vmem>>, vector<1x128xf32>
    %get3A_168 = arith.constant 0 : index
    %get3A_169 = arith.constant 0 : index
    %get3A_170 = memref.load %arg14[%get3A_168, %get3A_169] : memref<1x1xf32, #tpu.memory_space<smem>>
    %broadcast_in_dim3A_171 = arith.constant 0.000000e+00 : f32
    %broadcast_in_dim3A_172 = vector.broadcast %broadcast_in_dim3A_171 : f32 to vector<64x26xf32>
    %scan3A_173 = arith.constant 0 : i32
    %scan3A_174 = arith.constant 26 : i32
    %scan3A_175 = arith.addi %scan3A_173, %scan3A_174 : i32
    %scan3A_176 = arith.constant 1 : i32
    %scan3A_177 = scf.for %scan3A_182 = %scan3A_173 to %scan3A_175 step %scan3A_176 iter_args(%scan3A_183 = %broadcast_in_dim3A_172) -> (vector<64x26xf32>)  : i32 {
      %get3A_184 = arith.index_cast %scan3A_182 : i32 to index
      %get3A_185 = arith.constant 0 : index
      %get3A_186 = vector.load %arg12[%get3A_184, %get3A_185] : memref<26x256xf32, #tpu.memory_space<vmem>>, vector<1x256xf32>
      %get3A_187 = arith.index_cast %scan3A_182 : i32 to index
      %get3A_188 = arith.constant 0 : index
      %get3A_189 = arith.constant 0 : index
      %get3A_190 = vector.load %arg11[%get3A_187, %get3A_188, %get3A_189] : memref<26x256x68xf32, #tpu.memory_space<vmem>>, vector<1x256x68xf32>
      %get3A_191 = vector.shape_cast %get3A_190 : vector<1x256x68xf32> to vector<256x68xf32>
      %dot_general3A_192 = arith.constant dense<0.000000e+00> : vector<3264x256xf32>
      %dot_general3A_193 = tpu.matmul %reshape3A_124, %get3A_191, %dot_general3A_192 {dimension_numbers = #tpu.dot_dimension_numbers<[1], [1], [0], [0], [0, 0, 1, 0], [], []>, transpose_lhs_hint = false} : vector<3264x68xf32>, vector<256x68xf32>, vector<3264x256xf32> -> vector<3264x256xf32>
      %add3A_194 = vector.broadcast %get3A_186 : vector<1x256xf32> to vector<3264x256xf32>
      %add3A_195 = arith.addf %dot_general3A_193, %add3A_194 : vector<3264x256xf32>
      %ge3A = arith.constant 0.000000e+00 : f32
      %ge3A_196 = vector.broadcast %ge3A : f32 to vector<3264x256xf32>
      %ge3A_197 = arith.cmpf oge, %add3A_195, %ge3A_196 : vector<3264x256xf32>
      %mul3A_198 = arith.constant 0.00999999977 : f32
      %mul3A_199 = vector.broadcast %mul3A_198 : f32 to vector<3264x256xf32>
      %mul3A_200 = arith.mulf %mul3A_199, %add3A_195 : vector<3264x256xf32>
      %select_n3A_201 = arith.select %ge3A_197, %add3A_195, %mul3A_200 : vector<3264x256xi1>, vector<3264x256xf32>
      %slice3A_202 = vector.extract_strided_slice %select_n3A_201 {offsets = [0, 0], sizes = [3264, 128], strides = [1, 1]} : vector<3264x256xf32> to vector<3264x128xf32>
      %dot_general3A_203 = arith.constant dense<0.000000e+00> : vector<64x128xf32>
      %dot_general3A_204 = tpu.matmul %convert_element_type3A_164, %slice3A_202, %dot_general3A_203 {dimension_numbers = #tpu.dot_dimension_numbers<[1], [0], [0], [1], [0, 0, 1, 1], [], []>, transpose_lhs_hint = false} : vector<64x3264xf32>, vector<3264x128xf32>, vector<64x128xf32> -> vector<64x128xf32>
      %slice3A_205 = vector.extract_strided_slice %get3A_186 {offsets = [0, 0], sizes = [1, 128], strides = [1, 1]} : vector<1x256xf32> to vector<1x128xf32>
      %ge3A_206 = arith.constant 0.000000e+00 : f32
      %ge3A_207 = vector.broadcast %ge3A_206 : f32 to vector<1x128xf32>
      %ge3A_208 = arith.cmpf oge, %slice3A_205, %ge3A_207 : vector<1x128xf32>
      %mul3A_209 = arith.constant 0.00999999977 : f32
      %mul3A_210 = vector.broadcast %mul3A_209 : f32 to vector<1x128xf32>
      %mul3A_211 = arith.mulf %mul3A_210, %slice3A_205 : vector<1x128xf32>
      %select_n3A_212 = arith.select %ge3A_208, %slice3A_205, %mul3A_211 : vector<1x128xi1>, vector<1x128xf32>
      %mul3A_213 = vector.broadcast %select_n3A_212 : vector<1x128xf32> to vector<64x128xf32>
      %mul3A_214 = arith.mulf %reduce_sum3A_135, %mul3A_213 : vector<64x128xf32>
      %sub3A_215 = arith.subf %dot_general3A_204, %mul3A_214 : vector<64x128xf32>
      %mul3A_216 = vector.broadcast %get3A_167 : vector<1x128xf32> to vector<64x128xf32>
      %mul3A_217 = arith.mulf %sub3A_215, %mul3A_216 : vector<64x128xf32>
      %reduce_sum3A_218 = arith.constant dense<0.000000e+00> : vector<64xf32>
      %reduce_sum3A_219 = vector.multi_reduction <add>, %mul3A_217, %reduce_sum3A_218 [1] : vector<64x128xf32> to vector<64xf32>
      %broadcast_in_dim3A_220 = vector.shape_cast %reduce_sum3A_219 : vector<64xf32> to vector<64x1xf32>
      %add3A_221 = vector.broadcast %get3A_170 : f32 to vector<64x1xf32>
      %add3A_222 = arith.addf %broadcast_in_dim3A_220, %add3A_221 : vector<64x1xf32>
      %logistic3A = arith.negf %add3A_222 : vector<64x1xf32>
      %logistic3A_223 = math.exp %logistic3A : vector<64x1xf32>
      %logistic3A_224 = arith.constant 1.000000e+00 : f32
      %logistic3A_225 = vector.broadcast %logistic3A_224 : f32 to vector<64x1xf32>
      %logistic3A_226 = arith.addf %logistic3A_225, %logistic3A_223 : vector<64x1xf32>
      %logistic3A_227 = arith.divf %logistic3A_225, %logistic3A_226 : vector<64x1xf32>
      %max3A_228 = arith.constant 9.99999974E-6 : f32
      %max3A_229 = vector.broadcast %max3A_228 : f32 to vector<64x1xf32>
      %max3A_230 = arith.maximumf %logistic3A_227, %max3A_229 : vector<64x1xf32>
      %get3A_231 = arith.index_cast %scan3A_182 : i32 to index
      %get3A_232 = arith.constant 0 : index
      %get3A_233 = arith.constant 0 : index
      %get3A_234 = vector.load %arg15[%get3A_231, %get3A_232, %get3A_233] : memref<26x1x128xf32, #tpu.memory_space<vmem>>, vector<1x1x128xf32>
      %get3A_235 = vector.shape_cast %get3A_234 : vector<1x1x128xf32> to vector<1x128xf32>
      %broadcast_in_dim3A_236 = arith.constant 0.000000e+00 : f32
      %broadcast_in_dim3A_237 = vector.broadcast %broadcast_in_dim3A_236 : f32 to vector<7x128xf32>
      %concatenate3A_238 = tpu.concatenate %get3A_235, %broadcast_in_dim3A_237 in 0 : vector<1x128xf32>, vector<7x128xf32> -> vector<8x128xf32>
      %slice3A_239 = vector.extract_strided_slice %select_n3A_201 {offsets = [0, 128], sizes = [3264, 128], strides = [1, 1]} : vector<3264x256xf32> to vector<3264x128xf32>
      %dot_general3A_240 = arith.constant dense<0.000000e+00> : vector<3264x8xf32>
      %dot_general3A_241 = tpu.matmul %slice3A_239, %concatenate3A_238, %dot_general3A_240 {dimension_numbers = #tpu.dot_dimension_numbers<[1], [1], [0], [0], [0, 0, 1, 0], [], []>, transpose_lhs_hint = false} : vector<3264x128xf32>, vector<8x128xf32>, vector<3264x8xf32> -> vector<3264x8xf32>
      %reshape3A_242 = vector.shape_cast %dot_general3A_241 : vector<3264x8xf32> to vector<64x51x8xf32>
      %slice3A_243 = vector.extract_strided_slice %reshape3A_242 {offsets = [0, 0, 0], sizes = [64, 51, 1], strides = [1, 1, 1]} : vector<64x51x8xf32> to vector<64x51x1xf32>
      %reduce_max3A = arith.constant dense<0xFF800000> : vector<64x1xf32>
      %reduce_max3A_244 = vector.multi_reduction <maximumf>, %slice3A_243, %reduce_max3A [1] : vector<64x51x1xf32> to vector<64x1xf32>
      %get3A_245 = arith.index_cast %scan3A_182 : i32 to index
      %get3A_246 = arith.constant 0 : index
      %get3A_247 = memref.load %arg16[%get3A_245, %get3A_246] : memref<26x1xf32, #tpu.memory_space<smem>>
      %add3A_248 = vector.broadcast %get3A_247 : f32 to vector<64x1xf32>
      %add3A_249 = arith.addf %reduce_max3A_244, %add3A_248 : vector<64x1xf32>
      %mul3A_250 = arith.mulf %max3A_230, %add3A_249 : vector<64x1xf32>
      %exp3A = math.exp %max3A_230 : vector<64x1xf32>
      %mul3A_251 = arith.constant 5.000000e-01 : f32
      %mul3A_252 = vector.broadcast %mul3A_251 : f32 to vector<64x1xf32>
      %mul3A_253 = arith.mulf %mul3A_252, %exp3A : vector<64x1xf32>
      %sub3A_254 = arith.subf %mul3A_250, %mul3A_253 : vector<64x1xf32>
      %iota3A_255 = tpu.iota {dimensions = array<i32: 1>} : vector<1x26xi32>
      %eq3A_256 = vector.broadcast %scan3A_182 : i32 to vector<1x26xi32>
      %eq3A_257 = arith.cmpi eq, %iota3A_255, %eq3A_256 : vector<1x26xi32>
      %convert_element_type3A_258 = arith.extui %eq3A_257 : vector<1x26xi1> to vector<1x26xi32>
      %convert_element_type3A_259 = arith.sitofp %convert_element_type3A_258 : vector<1x26xi32> to vector<1x26xf32>
      %dot_general3A_260 = arith.constant dense<0.000000e+00> : vector<64x26xf32>
      %dot_general3A_261 = tpu.matmul %sub3A_254, %convert_element_type3A_259, %dot_general3A_260 {dimension_numbers = #tpu.dot_dimension_numbers<[1], [0], [0], [1], [0, 0, 1, 1], [], []>, transpose_lhs_hint = false} : vector<64x1xf32>, vector<1x26xf32>, vector<64x26xf32> -> vector<64x26xf32>
      %add3A_262 = arith.addf %scan3A_183, %dot_general3A_261 : vector<64x26xf32>
      scf.yield %add3A_262 : vector<64x26xf32>
    }
    %scan3A_178 = arith.constant 26 : i32
    %swap3A_179 = arith.constant 0 : index
    %swap3A_180 = arith.constant 0 : index
    %swap3A_181 = vector.load %arg17[%swap3A_179, %swap3A_180] : memref<64x26xf32, #tpu.memory_space<vmem>>, vector<64x26xf32>
    tpu.vector_store %arg17[%swap3A_179, %swap3A_180], %scan3A_177 {strides = array<i32>} : memref<64x26xf32, #tpu.memory_space<vmem>>, vector<64x26xf32>,
    return
  }
  func.func @transform_0(%arg0: i32) -> (i32, i32, i32) {
    %c0_i32 = arith.constant 0 : i32
    %c0_i32_0 = arith.constant 0 : i32
    %c0_i32_1 = arith.constant 0 : i32
    return %arg0, %c0_i32, %c0_i32_0 : i32, i32, i32
  }
  func.func @transform_1(%arg0: i32) -> (i32, i32, i32) {
    %c0_i32 = arith.constant 0 : i32
    %c0_i32_0 = arith.constant 0 : i32
    %c0_i32_1 = arith.constant 0 : i32
    return %arg0, %c0_i32, %c0_i32_0 : i32, i32, i32
  }
  func.func @transform_2(%arg0: i32) -> (i32, i32, i32) {
    %c0_i32 = arith.constant 0 : i32
    %c0_i32_0 = arith.constant 0 : i32
    %c0_i32_1 = arith.constant 0 : i32
    return %arg0, %c0_i32, %c0_i32_0 : i32, i32, i32
  }
  func.func @transform_3(%arg0: i32) -> (i32, i32) {
    %c0_i32 = arith.constant 0 : i32
    %c0_i32_0 = arith.constant 0 : i32
    %c0_i32_1 = arith.constant 0 : i32
    return %c0_i32, %c0_i32_0 : i32, i32
  }
  func.func @transform_4(%arg0: i32) -> (i32, i32) {
    %c0_i32 = arith.constant 0 : i32
    %c0_i32_0 = arith.constant 0 : i32
    %c0_i32_1 = arith.constant 0 : i32
    return %c0_i32, %c0_i32_0 : i32, i32
  }
  func.func @transform_5(%arg0: i32) -> (i32, i32) {
    %c0_i32 = arith.constant 0 : i32
    %c0_i32_0 = arith.constant 0 : i32
    %c0_i32_1 = arith.constant 0 : i32
    return %c0_i32, %c0_i32_0 : i32, i32
  }
  func.func @transform_6(%arg0: i32) -> (i32, i32) {
    %c0_i32 = arith.constant 0 : i32
    %c0_i32_0 = arith.constant 0 : i32
    %c0_i32_1 = arith.constant 0 : i32
    return %c0_i32, %c0_i32_0 : i32, i32
  }
  func.func @transform_7(%arg0: i32) -> (i32, i32) {
    %c0_i32 = arith.constant 0 : i32
    %c0_i32_0 = arith.constant 0 : i32
    %c0_i32_1 = arith.constant 0 : i32
    return %c0_i32, %c0_i32_0 : i32, i32
  }
  func.func @transform_8(%arg0: i32) -> (i32, i32) {
    %c0_i32 = arith.constant 0 : i32
    %c0_i32_0 = arith.constant 0 : i32
    %c0_i32_1 = arith.constant 0 : i32
    return %c0_i32, %c0_i32_0 : i32, i32
  }
  func.func @transform_9(%arg0: i32) -> (i32, i32) {
    %c0_i32 = arith.constant 0 : i32
    %c0_i32_0 = arith.constant 0 : i32
    %c0_i32_1 = arith.constant 0 : i32
    return %c0_i32, %c0_i32_0 : i32, i32
  }
  func.func @transform_10(%arg0: i32) -> (i32, i32, i32) {
    %c0_i32 = arith.constant 0 : i32
    %c0_i32_0 = arith.constant 0 : i32
    %c0_i32_1 = arith.constant 0 : i32
    %c0_i32_2 = arith.constant 0 : i32
    return %c0_i32, %c0_i32_0, %c0_i32_1 : i32, i32, i32
  }
  func.func @transform_11(%arg0: i32) -> (i32, i32) {
    %c0_i32 = arith.constant 0 : i32
    %c0_i32_0 = arith.constant 0 : i32
    %c0_i32_1 = arith.constant 0 : i32
    return %c0_i32, %c0_i32_0 : i32, i32
  }
  func.func @transform_12(%arg0: i32) -> (i32, i32) {
    %c0_i32 = arith.constant 0 : i32
    %c0_i32_0 = arith.constant 0 : i32
    %c0_i32_1 = arith.constant 0 : i32
    return %c0_i32, %c0_i32_0 : i32, i32
  }
  func.func @transform_13(%arg0: i32) -> (i32, i32) {
    %c0_i32 = arith.constant 0 : i32
    %c0_i32_0 = arith.constant 0 : i32
    %c0_i32_1 = arith.constant 0 : i32
    return %c0_i32, %c0_i32_0 : i32, i32
  }
  func.func @transform_14(%arg0: i32) -> (i32, i32, i32) {
    %c0_i32 = arith.constant 0 : i32
    %c0_i32_0 = arith.constant 0 : i32
    %c0_i32_1 = arith.constant 0 : i32
    %c0_i32_2 = arith.constant 0 : i32
    return %c0_i32, %c0_i32_0, %c0_i32_1 : i32, i32, i32
  }
  func.func @transform_15(%arg0: i32) -> (i32, i32) {
    %c0_i32 = arith.constant 0 : i32
    %c0_i32_0 = arith.constant 0 : i32
    %c0_i32_1 = arith.constant 0 : i32
    return %c0_i32, %c0_i32_0 : i32, i32
  }
  func.func @transform_16(%arg0: i32) -> (i32, i32) {
    %c0_i32 = arith.constant 0 : i32
    %c0_i32_0 = arith.constant 0 : i32
    return %arg0, %c0_i32 : i32, i32
  }
}

</mosaic_0001>

<sc_bundles>
// kernel: kernel.4.cloned.1.call-start
scs
__scs_entry_jumppad:
0x0: {  	(pc) =	sbr.rel $0x88, $3  }
0x1: {  	(tag) =	ssettag $0x0;
	lr =	simm.s32 $0x1  }
0x2: {  	[smem:$0x3F91] =	sst lr;
	_ =	strace $0xD0000000  }
0x3: {  	_ = 	snop  }
0x4: {  	_ = 	snop  }
0x5: {  	_ = 	snop  }
0x6: {  	_ = 	snop  }
0x7: {  	_ = 	snop  }
__scs_overlays_trampoline_lowered:
0x8: {  	[smem:$0x3FA0] =	sst s0  }
0x9: {  	[smem:$0x3FA1] =	sst s1  }
0xa: {  	[smem:$0x3FA2] =	sst s2  }
0xb: {  	[smem:$0x3FA3] =	sst s3  }
0xc: {  	[smem:$0x3FA4] =	sst s4  }
0xd: {  	[smem:$0x3FA5] =	sst s5  }
0xe: {  	[smem:$0x3FA6] =	sst s6  }
0xf: {  	[smem:$0x3FA7] =	sst s7  }
0x10: {  	[smem:$0x3FA8] =	sst s8  }
0x11: {  	[smem:$0x3FA9] =	sst s9;
	s0 =	simm.s32 @!p0 $0x0  }
0x12: {  	s1 =	sld [smem:$0x3F8F];
	s0 =	simm.s32 @p0 $0x1  }
0x13: {  	[smem:$0x3FAA] =	sst s0;
	s0 =	simm.s32 @!p1 $0x0  }
0x14: {  	s2 =	sld [smem:$0x3F8E];
	s0 =	simm.s32 @p1 $0x1  }
0x15: {  	[smem:$0x3FAB] =	sst s0;
	s0 =	simm.s32 @!p2 $0x0  }
0x16: {  	s3 =	sld [smem:$0x3FDB];
	s0 =	simm.s32 @p2 $0x1  }
0x17: {  	s4 =	simm.s32 $0x1BF5;
	[smem:$0x3FAD] =	sst s0  }
0x18: {  	s0 =	sld [smem:$0x3F90];
	_ =	swait.ge [sflag:s4], $0x0  }
0x19: {  	s7 =	sld [smem:$0x3F91]  }
0x1a: {  	s8 =	sadd.s32 $0xFFFFE003, lr  }
0x1b: {  	s9 =	sadd.s32 $0xFFFFFEF7, lr;
	s5 =	simm.s32 $0xFFFFFFFF;
	p2 =	slt.u32 s8, $0xFFFFF086  }
0x1c: {  	p1 =	slt.u32 s9, $0xF7A;
	s5 =	simm.s32 @!p2 $0x0  }
0x1d: {  	s5 =	simm.s32 @p1 $0x1;
	p0 =	seq.s32 s7, s2  }
0x1e: {  	s7 =	smul.u32 @!p0 $0xF7A, s2;
	p2 =	seq.s32 @!p0 s5, $0x0  }
0x1f: {  	s9 =	smul.u32 $0xF7A, s1;
	s8 =	simm.s32 @!p0 $0x1BF5;
	p2 =	por !p2, p0  }
0x20: {  	[sflag:s8] =	ssyncset.s32 @!p0 $0xFFFFF086;
	s6 =	sadd.s32 @!p0 s3, s7;
	s7 =	simm.s32 @!p0 $0x108  }
0x21: {  	s3 =	sadd.s32 s3, s9;
	s6 =	sadd.s32 @!p0 $0x88, s6;
	s7 =	simm.s32 @p2 $0x1082  }
0x22: {  	[simem:s7], [sflag:s8] =	dma.local @!p0 [hbm:s6], $0xF7A  }
0x23: {  	s9 =	sor.u32 $0xD0000000, s2;
	s6 =	simm.s32 $0x108;
	_ =	swait.ge @!p0 [sflag:s8], $0x0  }
0x24: {  	s3 =	sadd.s32 $0x88, s3;
	s6 =	simm.s32 @!p1 $0x1082;
	[sflag:s4] =	ssyncset.s32 $0xFFFFF086  }
0x25: {  	[simem:s6], [sflag:s4] =	dma.local [hbm:s3], $0xF7A  }
0x26: {  	[smem:$0x3F91] =	sst s1;
	(tag) =	ssettag s2;
	_ =	strace s9  }
0x27: {  	s1 =	sld [smem:$0x3FA1]  }
0x28: {  	s2 =	sld [smem:$0x3FA2]  }
0x29: {  	s4 =	sld [smem:$0x3FA4]  }
0x2a: {  	p0 =	seq.s32 s5, $0x0;
	s5 =	sld [smem:$0x3FA5]  }
0x2b: {  	s6 =	sld [smem:$0x3FA6]  }
0x2c: {  	s7 =	sld [smem:$0x3FA7]  }
0x2d: {  	s3 =	simm.s32 $0x108;
	s8 =	sld [smem:$0x3FA8]  }
0x2e: {  	s3 =	simm.s32 @!p0 $0x1082;
	s9 =	sld [smem:$0x3FA9]  }
0x2f: {  	lr =	sadd.s32 s0, s3;
	s0 =	sld [smem:$0x3FA0]  }
0x30: {  	s3 =	sld [smem:$0x3FA3]  }
0x31: {  	[smem:$0x3FAC] =	sst s10  }
0x32: {  	s10 =	sld [smem:$0x3FAA];
	_ =	sdelay $0x3  }
0x33: {  	p0 =	seq.s32 s10, $0x1;
	s10 =	sld [smem:$0x3FAC];
	_ =	sdelay $0x3  }
0x34: {  	[smem:$0x3FAC] =	sst s10  }
0x35: {  	s10 =	sld [smem:$0x3FAB];
	_ =	sdelay $0x3  }
0x36: {  	p1 =	seq.s32 s10, $0x1;
	s10 =	sld [smem:$0x3FAC];
	_ =	sdelay $0x3  }
0x37: {  	[smem:$0x3FAC] =	sst s10  }
0x38: {  	s10 =	sld [smem:$0x3FAD]  }
0x39: {  	_ = 	snop;
	(pc) =	sbr.ind lr, $3  }
0x3a: {  	_ = 	snop  }
0x3b: {  	_ = 	snop  }
0x3c: {  	p2 =	seq.s32 s10, $0x1;
	s10 =	sld [smem:$0x3FAC]  }
0x3d: {  	_ =	shalt  }
0x3e: {  	_ =	shalt  }
0x3f: {  	_ =	shalt  }
0x40: {  	_ =	shalt  }
0x41: {  	_ =	shalt  }
0x42: {  	_ =	shalt  }
0x43: {  	_ =	shalt  }
0x44: {  	_ =	shalt  }
0x45: {  	_ =	shalt  }
0x46: {  	_ =	shalt  }
0x47: {  	_ =	shalt  }
0x48: {  	_ =	shalt  }
0x49: {  	_ =	shalt  }
0x4a: {  	_ =	shalt  }
0x4b: {  	_ =	shalt  }
0x4c: {  	_ =	shalt  }
0x4d: {  	_ =	shalt  }
0x4e: {  	_ =	shalt  }
0x4f: {  	_ =	shalt  }
0x50: {  	_ =	shalt  }
0x51: {  	_ =	shalt  }
0x52: {  	_ =	shalt  }
0x53: {  	_ =	shalt  }
0x54: {  	_ =	shalt  }
0x55: {  	_ =	shalt  }
0x56: {  	_ =	shalt  }
0x57: {  	_ =	shalt  }
0x58: {  	_ =	shalt  }
0x59: {  	_ =	shalt  }
0x5a: {  	_ =	shalt  }
0x5b: {  	_ =	shalt  }
0x5c: {  	_ =	shalt  }
0x5d: {  	_ =	shalt  }
0x5e: {  	_ =	shalt  }
0x5f: {  	_ =	shalt  }
0x60: {  	_ =	shalt  }
0x61: {  	_ =	shalt  }
0x62: {  	_ =	shalt  }
0x63: {  	_ =	shalt  }
0x64: {  	_ =	shalt  }
0x65: {  	_ =	shalt  }
0x66: {  	_ =	shalt  }
0x67: {  	_ =	shalt  }
0x68: {  	_ =	shalt  }
0x69: {  	_ =	shalt  }
0x6a: {  	_ =	shalt  }
0x6b: {  	_ =	shalt  }
0x6c: {  	_ =	shalt  }
0x6d: {  	_ =	shalt  }
0x6e: {  	_ =	shalt  }
0x6f: {  	_ =	shalt  }
0x70: {  	_ =	shalt  }
0x71: {  	_ =	shalt  }
0x72: {  	_ =	shalt  }
0x73: {  	_ =	shalt  }
0x74: {  	_ =	shalt  }
0x75: {  	_ =	shalt  }
0x76: {  	_ =	shalt  }
0x77: {  	_ =	shalt  }
0x78: {  	_ =	shalt  }
0x79: {  	_ =	shalt  }
0x7a: {  	_ =	shalt  }
0x7b: {  	_ =	shalt  }
0x7c: {  	_ =	shalt  }
0x7d: {  	_ =	shalt  }
0x7e: {  	_ =	shalt  }
0x7f: {  	_ =	shalt  }
0x80: {  	_ =	shalt  }
0x81: {  	_ =	shalt  }
0x82: {  	_ =	shalt  }
0x83: {  	_ =	shalt  }
0x84: {  	_ =	shalt  }
0x85: {  	_ =	shalt  }
0x86: {  	_ =	shalt  }
0x87: {  	_ =	shalt  }
.Lfunc_end0:
.L_simem_size_0:
called_computation_lowered:
.L_overlay_start_0:
0x88: {  	s2 =	sld [smem:$0x3FD9]  }
0x89: {  	s3 =	sld [smem:$0x3FFE];
	_ =	sdelay $0x1  }
0x8a: {  	s1 =	srdreg.scid  }
0x8b: {  	s0 =	sand.u32 $0x1, s1  }
0x8c: {  	s17 =	sshll.u32 s0, $0xA;
	s2 =	sadd.s32 s3, s2  }
0x8d: {  	s2 =	sadd.s32 s2, s17  }
0x8e: {  	[smem:$0x3FB8] =	sst s2  }
0x8f: {  	_ = 	snop  }
0x90: {  	s2 =	sld [smem:$0x3FD0];
	(tm) =	ssettm $0x1  }
0x91: {  	s18 =	sld [smem:$0x3FFB];
	_ =	sdelay $0x3  }
0x92: {  	_ =	strace s18  }
0x93: {  	s3 =	sld [smem:$0x3FFC];
	_ =	sdelay $0x3  }
0x94: {  	_ =	strace s3  }
0x95: {  	s3 =	sld [smem:$0x3FFD];
	_ =	sdelay $0x3  }
0x96: {  	_ =	strace s3  }
0x97: {  	_ =	strace $0x8FFFFFFF  }
0x98: {  	s19 =	sld [smem:$0x3FDB];
	_ =	sdelay $0x1  }
0x99: {  	s4 =	simm.s32 $_scs_section_size  }
0x9a: {  	s5 =	simm.s32 $_size__tile_overlayer_lowered;
	s6 =	simm.s32 $_tile_overlayer_lowered  }
0x9b: {  	s22 =	simm.s32 $0x1BFF;
	s21 =	sshll.u32 s6, $0x1;
	s3 =	sadd.s32 s4, s19  }
0x9c: {  	s7 =	simm.s32 $0x0;
	s20 =	sshll.u32 s5, $0x1;
	s5 =	sadd.s32 s21, s3  }
0x9d: {  	[timem:s7], [sflag:s22] =	dma.local [hbm:s5], s20  }
0x9e: {  	_ =	swait.ge [sflag:s22], s20  }
0x9f: {  	s4 =	ssub.s32 $0x0, s20;
	[sflag:s22] =	ssyncset.done $0x0  }
0xa0: {  	[sflag:s22] =	ssyncadd.s32 s4;
	_ =	sdelay $0x1  }
0xa1: {  	s23 =	simm.s32 $0x1B8B  }
0xa2: {  	_ =	swait.ge [sflag:s23], $0x1  }
0xa3: {  	[sflag:s23] =	ssyncset.done $0x0  }
0xa4: {  	s25 =	simm.s32 $0x1B8E;
	s24 =	sld [smem:$0x3FFE];
	[sflag:s23] =	ssyncadd.s32 $0xFFFFFFFF  }
0xa5: {  	s26 =	simm.s32 $execute0_lowered;
	[smem:$0x3FD2] =	sst s25  }
0xa6: {  	s5 =	sshll.u32 s26, $0x1;
	_ =	strace $0x80000046;
	[dreg:$0x1] =	wrdreg $0xFFFFFFFF  }
0xa7: {  	s28 =	simm.s32 $_size_execute0_lowered;
	s3 =	sadd.s32 s3, s5;
	[dreg:$0x0] =	wrdreg $0x0  }
0xa8: {  	s5 =	sshll.u32 s28, $0x1;
	[dreg:$0x2] =	wrdreg s3  }
0xa9: {  	[dreg:$0x3] =	wrdreg s5  }
0xaa: {  	[dreg:$0x4] =	wrdreg $0xC0  }
0xab: {  	_ =	task [dreg:s7], $0x5FFFF  }
0xac: {  	[dreg:$0x1] =	wrdreg $0xFFFFFFFF  }
0xad: {  	[dreg:$0x0] =	wrdreg $0x60  }
0xae: {  	[dreg:$0x2] =	wrdreg s2  }
0xaf: {  	[dreg:$0x3] =	wrdreg s24  }
0xb0: {  	[dreg:$0x4] =	wrdreg $0x9  }
0xb1: {  	_ =	task.clear_ibuf [dreg:s7], $0x5FFFF;
	_ =	strace $0x90000046  }
0xb2: {  	s29 =	simm.s32 $0x9;
	_ =	strace $0x80000048  }
0xb3: {  	_ =	swait.ge [sflag:s29], $0x1  }
0xb4: {  	[sflag:s29] =	ssyncadd.s32 $0xFFFFFFFF  }
0xb5: {  	_ =	strace $0x90000048  }
0xb6: {  	_ =	sfence  }
0xb7: {  	s30 =	sld [smem:$0x0];
	_ =	sdelay $0x2  }
0xb8: {  	s31 =	sshll.u32 s1, $0xD;
	s1 =	sshrl.u32 s1, $0x2  }
0xb9: {  	s3 =	sand.u32 $0x4000, s31;
	s1 =	sadd.s32 s1, s30  }
0xba: {  	s0 =	sor.u32 s3, s0;
	s1 =	sshll.u32 s1, $0x11  }
0xbb: {  	s0 =	sor.u32 s1, s0  }
0xbc: {  	s0 =	sadd.s32 $0x8F2B, s0  }
0xbd: {  	[sflag:s0] =	ssyncadd.remote.s32 $0x1  }
0xbe: {  	_ =	sfence.sel $0xFFFF  }
0xbf: {  	[dreg:$0x0] =	wrdreg $0xFFFFFFFF;
	(pc) =	sbr.abs _section_cstart, $3  }
0xc0: {  	[dreg:$0x1] =	wrdreg $0xFFFFFFFF  }
0xc1: {  	_ =	task.clear_ibuf [dreg:s7], $0x2FFFF;
	_ =	strace $0x9FFFFFFF  }
0xc2: {  	(tm) =	ssettm $0x7FFFFFFF  }
0xc3: {  	_ =	shalt  }
tec
execute0_lowered:
.L_overlay_start_1:
0x0: {  	(tag) =	ssettag $0x1  }
0x1: {  	s4 =	rddreg [dreg:$0x0];
	s0 =	srdreg.scid  }
0x2: {  	s17 =	stileid.u32;
	s1 =	rddreg [dreg:$0x1];
	s2 =	simm.s32 $0x0  }
0x3: {  	s22 =	simm.s32 $0x80;
	s7 =	simm.s32 $0x50;
	s23 =	simm.s32 $0x100  }
0x4: {  	s24 =	simm.s32 $0x180;
	s8 =	simm.s32 $0x3400;
	s25 =	simm.s32 $0x200  }
0x5: {  	s9 =	simm.s32 $0x5C00;
	s26 =	simm.s32 $0x280;
	s10 =	simm.s32 $0x8400  }
0x6: {  	s11 =	simm.s32 $0xAC00;
	s12 =	simm.s32 $0xD400;
	s29 =	simm.s32 $0x300  }
0x7: {  	s13 =	simm.s32 $0xFC00;
	s30 =	simm.s32 $0x380;
	s14 =	simm.s32 $0x12400  }
0x8: {  	s31 =	simm.s32 $0x400;
	s15 =	simm.s32 $0x14C00;
	s18 =	simm.s32 $0x480  }
0x9: {  	s16 =	simm.s32 $0x17400;
	s19 =	simm.s32 $0x580;
	[smem:$0x7FF] =	sst s2  }
0xa: {  	s20 =	simm.s32 $0x600;
	_ =	strace $0x80000047;
	[dreg:$0x6] =	wrdreg s22  }
0xb: {  	p0 =	por $0x0, $0x0;
	s28 =	simm.s32 $0x980;
	[dreg:$0x7] =	wrdreg s23  }
0xc: {  	s0 =	sand.u32 $0x1, s0;
	s3 =	sshll.u32 s17, $0x1;
	[dreg:$0x8] =	wrdreg s24  }
0xd: {  	s3 =	sor.u32 s0, s3;
	s0 =	ssub.s32 $0x2, s0;
	[dreg:$0x9] =	wrdreg s25  }
0xe: {  	[dreg:$0xa] =	wrdreg s26;
	s22 =	simm.s32 $0x700;
	s23 =	simm.s32 $0x780  }
0xf: {  	s24 =	simm.s32 $0x800;
	s5 =	smul.u32 $0x180, s3;
	s21 =	sshrl.u32 s0, $0x1  }
0x10: {  	s25 =	simm.s32 $0x880;
	s6 =	smul.u32 $0x32000, s3;
	s0 =	ssub.s32 s0, s21  }
0x11: {  	s26 =	simm.s32 $0x900;
	s3 =	smul.u32 $0x6400, s3;
	s0 =	smax.u32 s0, $0x1  }
0x12: {  	s5 =	sadd.s32 s5, s1;
	s1 =	sadd.s32 $0x5400, s1;
	p1 =	sne.s32 s0, $0x1  }
.Ltmp0:
0x13: {  	s6 =	sshrl.u32 s6, $0x3;
	s5 =	sadd.s32 $0x2400, s5;
	(pc) =	sbr.rel @!p1 .LBB2_1-.Ltmp0, $4  }
0x14: {  	s3 =	sadd.s32 s1, s3;
	s1 =	sadd.s32 s1, s6;
	[dreg:$0x3] =	wrdreg s5  }
0x15: {  	s21 =	simm.s32 $0x680;
	[dreg:$0x4] =	wrdreg s3;
	s1 =	sadd.s32 $0x3200, s1  }
0x16: {  	s6 =	simm.s32 $0x1;
	s3 =	simm.s32 $0x2;
	[dreg:$0x5] =	wrdreg s1  }
0x17: {  	s5 =	simm.s32 $0xC00;
	s1 =	sadd.s32 $0xFFFFFFFF, s0;
	s0 =	rddreg [dreg:$0x3]  }
0x18: {  	[tilespmem:s2], [sflag:$0x2] =	stream.linear.gather [hbm4b:s0+s2], $0xA00, $0x38;
	[tilespmem:$0x19C00] =	vst v63  }
0x19: {  	_ =	swait.ge [sflag:s3], $0xA00  }
0x1a: {  	[sflag:s3] =	ssyncset.done $0x0  }
0x1b: {  	[sflag:s3] =	ssyncadd.s32 $0xFFFFF600  }
0x1c: {  	[tilespmem:s5], [sflag:$0x1] =	stream.indirect.gather [hbm4b:s4+s7], $0x80, s2, s7, $0xb8;
	[tilespmem:$0x19C00] =	vst v63  }
0x1d: {  	s0 =	rddreg [dreg:$0x6]  }
0x1e: {  	[tilespmem:s8], [sflag:$0x1] =	stream.indirect.gather [hbm4b:s4+s7], $0x80, s0, s7, $0xb8;
	[tilespmem:$0x19C00] =	vst v63  }
0x1f: {  	s17 =	smov.u32 s1;
	s1 =	rddreg [dreg:$0x7]  }
0x20: {  	[tilespmem:s9], [sflag:$0x1] =	stream.indirect.gather [hbm4b:s4+s7], $0x80, s1, s7, $0xb8;
	[tilespmem:$0x19C00] =	vst v63  }
0x21: {  	s0 =	rddreg [dreg:$0x8]  }
0x22: {  	[tilespmem:s10], [sflag:$0x1] =	stream.indirect.gather [hbm4b:s4+s7], $0x80, s0, s7, $0xb8;
	[tilespmem:$0x19C00] =	vst v63  }
0x23: {  	s1 =	rddreg [dreg:$0x9]  }
0x24: {  	[tilespmem:s11], [sflag:$0x1] =	stream.indirect.gather [hbm4b:s4+s7], $0x80, s1, s7, $0xb8;
	[tilespmem:$0x19C00] =	vst v63  }
0x25: {  	s0 =	rddreg [dreg:$0xa]  }
0x26: {  	[tilespmem:s12], [sflag:$0x1] =	stream.indirect.gather [hbm4b:s4+s7], $0x80, s0, s7, $0xb8;
	[tilespmem:$0x19C00] =	vst v63  }
0x27: {  	_ = 	snop  }
0x28: {  	[tilespmem:s13], [sflag:$0x1] =	stream.indirect.gather [hbm4b:s4+s7], $0x80, s29, s7, $0xb8;
	[tilespmem:$0x19C00] =	vst v63  }
0x29: {  	_ = 	snop  }
0x2a: {  	[tilespmem:s14], [sflag:$0x1] =	stream.indirect.gather [hbm4b:s4+s7], $0x80, s30, s7, $0xb8;
	[tilespmem:$0x19C00] =	vst v63  }
0x2b: {  	_ = 	snop  }
0x2c: {  	[tilespmem:s15], [sflag:$0x1] =	stream.indirect.gather [hbm4b:s4+s7], $0x80, s31, s7, $0xb8;
	[tilespmem:$0x19C00] =	vst v63  }
0x2d: {  	_ = 	snop  }
0x2e: {  	[tilespmem:s16], [sflag:$0x1] =	stream.indirect.gather [hbm4b:s4+s7], $0x80, s18, s7, $0xb8;
	[tilespmem:$0x19C00] =	vst v63  }
0x2f: {  	_ =	swait.ge [sflag:s6], $0x2800  }
0x30: {  	[sflag:s6] =	ssyncset.done $0x0  }
0x31: {  	[sflag:s6] =	ssyncadd.s32 $0xFFFFD800  }
0x32: {  	_ =	swait.ge [sflag:s6], $0x2800  }
0x33: {  	[sflag:s6] =	ssyncset.done $0x0  }
0x34: {  	[sflag:s6] =	ssyncadd.s32 $0xFFFFD800  }
0x35: {  	_ =	swait.ge [sflag:s6], $0x2800  }
0x36: {  	[sflag:s6] =	ssyncset.done $0x0  }
0x37: {  	[sflag:s6] =	ssyncadd.s32 $0xFFFFD800  }
0x38: {  	_ =	swait.ge [sflag:s6], $0x2800  }
0x39: {  	[sflag:s6] =	ssyncset.done $0x0  }
0x3a: {  	[sflag:s6] =	ssyncadd.s32 $0xFFFFD800  }
0x3b: {  	_ =	swait.ge [sflag:s6], $0x2800  }
0x3c: {  	[sflag:s6] =	ssyncset.done $0x0  }
0x3d: {  	[sflag:s6] =	ssyncadd.s32 $0xFFFFD800  }
0x3e: {  	_ =	swait.ge [sflag:s6], $0x2800  }
0x3f: {  	[sflag:s6] =	ssyncset.done $0x0  }
0x40: {  	[sflag:s6] =	ssyncadd.s32 $0xFFFFD800  }
0x41: {  	_ =	swait.ge [sflag:s6], $0x2800  }
0x42: {  	[sflag:s6] =	ssyncset.done $0x0  }
0x43: {  	[sflag:s6] =	ssyncadd.s32 $0xFFFFD800  }
0x44: {  	_ =	swait.ge [sflag:s6], $0x2800  }
0x45: {  	[sflag:s6] =	ssyncset.done $0x0  }
0x46: {  	[sflag:s6] =	ssyncadd.s32 $0xFFFFD800  }
0x47: {  	_ =	swait.ge [sflag:s6], $0x2800  }
0x48: {  	[sflag:s6] =	ssyncset.done $0x0  }
0x49: {  	[sflag:s6] =	ssyncadd.s32 $0xFFFFD800  }
0x4a: {  	_ =	swait.ge [sflag:s6], $0x2800  }
0x4b: {  	[sflag:s6] =	ssyncset.done $0x0  }
0x4c: {  	s1 =	rddreg [dreg:$0x4];
	[sflag:s6] =	ssyncadd.s32 $0xFFFFD800  }
0x4d: {  	[hbm4b:s1+s2] =	stream.linear.scatter [tilespmem:s5], [sflag:$0x2], $0x19000, $0x38;
	[tilespmem:$0x19C00] =	vst v63  }
0x4e: {  	_ =	swait.ge [sflag:s3], $0x19000  }
0x4f: {  	[sflag:s3] =	ssyncset.done $0x0  }
0x50: {  	s1 =	simm.s32 $0x500;
	[sflag:s3] =	ssyncadd.s32 $0xFFFE7000  }
0x51: {  	[tilespmem:s5], [sflag:$0x1] =	stream.indirect.gather [hbm4b:s4+s7], $0x80, s1, s7, $0xb8;
	[tilespmem:$0x19C00] =	vst v63  }
0x52: {  	_ = 	snop  }
0x53: {  	[tilespmem:s8], [sflag:$0x1] =	stream.indirect.gather [hbm4b:s4+s7], $0x80, s19, s7, $0xb8;
	[tilespmem:$0x19C00] =	vst v63  }
0x54: {  	_ = 	snop  }
0x55: {  	[tilespmem:s9], [sflag:$0x1] =	stream.indirect.gather [hbm4b:s4+s7], $0x80, s20, s7, $0xb8;
	[tilespmem:$0x19C00] =	vst v63  }
0x56: {  	_ = 	snop  }
0x57: {  	[tilespmem:s10], [sflag:$0x1] =	stream.indirect.gather [hbm4b:s4+s7], $0x80, s21, s7, $0xb8;
	[tilespmem:$0x19C00] =	vst v63  }
0x58: {  	_ = 	snop  }
0x59: {  	[tilespmem:s11], [sflag:$0x1] =	stream.indirect.gather [hbm4b:s4+s7], $0x80, s22, s7, $0xb8;
	[tilespmem:$0x19C00] =	vst v63  }
0x5a: {  	_ = 	snop  }
0x5b: {  	[tilespmem:s12], [sflag:$0x1] =	stream.indirect.gather [hbm4b:s4+s7], $0x80, s23, s7, $0xb8;
	[tilespmem:$0x19C00] =	vst v63  }
0x5c: {  	_ = 	snop  }
0x5d: {  	[tilespmem:s13], [sflag:$0x1] =	stream.indirect.gather [hbm4b:s4+s7], $0x80, s24, s7, $0xb8;
	[tilespmem:$0x19C00] =	vst v63  }
0x5e: {  	_ = 	snop  }
0x5f: {  	[tilespmem:s14], [sflag:$0x1] =	stream.indirect.gather [hbm4b:s4+s7], $0x80, s25, s7, $0xb8;
	[tilespmem:$0x19C00] =	vst v63  }
0x60: {  	_ = 	snop  }
0x61: {  	[tilespmem:s15], [sflag:$0x1] =	stream.indirect.gather [hbm4b:s4+s7], $0x80, s26, s7, $0xb8;
	[tilespmem:$0x19C00] =	vst v63  }
0x62: {  	_ = 	snop  }
0x63: {  	[tilespmem:s16], [sflag:$0x1] =	stream.indirect.gather [hbm4b:s4+s7], $0x80, s28, s7, $0xb8;
	[tilespmem:$0x19C00] =	vst v63  }
0x64: {  	_ =	swait.ge [sflag:s6], $0x2800  }
0x65: {  	[sflag:s6] =	ssyncset.done $0x0  }
0x66: {  	[sflag:s6] =	ssyncadd.s32 $0xFFFFD800  }
0x67: {  	_ =	swait.ge [sflag:s6], $0x2800  }
0x68: {  	[sflag:s6] =	ssyncset.done $0x0  }
0x69: {  	[sflag:s6] =	ssyncadd.s32 $0xFFFFD800  }
0x6a: {  	_ =	swait.ge [sflag:s6], $0x2800  }
0x6b: {  	[sflag:s6] =	ssyncset.done $0x0  }
0x6c: {  	[sflag:s6] =	ssyncadd.s32 $0xFFFFD800  }
0x6d: {  	_ =	swait.ge [sflag:s6], $0x2800  }
0x6e: {  	[sflag:s6] =	ssyncset.done $0x0  }
0x6f: {  	[sflag:s6] =	ssyncadd.s32 $0xFFFFD800  }
0x70: {  	_ =	swait.ge [sflag:s6], $0x2800  }
0x71: {  	[sflag:s6] =	ssyncset.done $0x0  }
0x72: {  	[sflag:s6] =	ssyncadd.s32 $0xFFFFD800  }
0x73: {  	_ =	swait.ge [sflag:s6], $0x2800  }
0x74: {  	[sflag:s6] =	ssyncset.done $0x0  }
0x75: {  	[sflag:s6] =	ssyncadd.s32 $0xFFFFD800  }
0x76: {  	_ =	swait.ge [sflag:s6], $0x2800  }
0x77: {  	[sflag:s6] =	ssyncset.done $0x0  }
0x78: {  	[sflag:s6] =	ssyncadd.s32 $0xFFFFD800  }
0x79: {  	_ =	swait.ge [sflag:s6], $0x2800  }
0x7a: {  	[sflag:s6] =	ssyncset.done $0x0  }
0x7b: {  	[sflag:s6] =	ssyncadd.s32 $0xFFFFD800  }
0x7c: {  	_ =	swait.ge [sflag:s6], $0x2800  }
0x7d: {  	[sflag:s6] =	ssyncset.done $0x0  }
0x7e: {  	[sflag:s6] =	ssyncadd.s32 $0xFFFFD800  }
0x7f: {  	p1 =	sne.s32 s17, $0x1;
	_ =	swait.ge [sflag:s6], $0x2800  }
.Ltmp1:
0x80: {  	[sflag:s6] =	ssyncset.done $0x0;
	(pc) =	sbr.rel @!p1 .LBB2_3-.Ltmp1, $4  }
0x81: {  	s1 =	rddreg [dreg:$0x5];
	[sflag:s6] =	ssyncadd.s32 $0xFFFFD800  }
0x82: {  	[hbm4b:s1+s2] =	stream.linear.scatter [tilespmem:s5], [sflag:$0x2], $0x19000, $0x38;
	[tilespmem:$0x19C00] =	vst v63  }
0x83: {  	p0 =	por $0x1, $0x1;
	_ =	swait.ge [sflag:s3], $0x19000  }
0x84: {  	s1 =	sadd.s32 $0xFFFFFFFF, s17;
	s0 =	rddreg [dreg:$0x3];
	[sflag:s3] =	ssyncset.done $0x0  }
.LBB2_4:
0x85: {  	[sflag:s3] =	ssyncadd.s32 $0xFFFE7000  }
0x86: {  	[tilespmem:s2], [sflag:$0x2] =	stream.linear.gather [hbm4b:s0+s2], $0xA00, $0x38;
	[tilespmem:$0x19C00] =	vst v63  }
0x87: {  	_ =	swait.ge [sflag:s3], $0xA00  }
0x88: {  	[sflag:s3] =	ssyncset.done $0x0  }
0x89: {  	[sflag:s3] =	ssyncadd.s32 $0xFFFFF600  }
0x8a: {  	[tilespmem:s5], [sflag:$0x1] =	stream.indirect.gather [hbm4b:s4+s7], $0x80, s2, s7, $0xb8;
	[tilespmem:$0x19C00] =	vst v63  }
0x8b: {  	s0 =	rddreg [dreg:$0x6]  }
0x8c: {  	[tilespmem:s8], [sflag:$0x1] =	stream.indirect.gather [hbm4b:s4+s7], $0x80, s0, s7, $0xb8;
	[tilespmem:$0x19C00] =	vst v63  }
0x8d: {  	s17 =	rddreg [dreg:$0x7]  }
0x8e: {  	[tilespmem:s9], [sflag:$0x1] =	stream.indirect.gather [hbm4b:s4+s7], $0x80, s17, s7, $0xb8;
	[tilespmem:$0x19C00] =	vst v63  }
0x8f: {  	s0 =	rddreg [dreg:$0x8]  }
0x90: {  	[tilespmem:s10], [sflag:$0x1] =	stream.indirect.gather [hbm4b:s4+s7], $0x80, s0, s7, $0xb8;
	[tilespmem:$0x19C00] =	vst v63  }
0x91: {  	s17 =	rddreg [dreg:$0x9]  }
0x92: {  	[tilespmem:s11], [sflag:$0x1] =	stream.indirect.gather [hbm4b:s4+s7], $0x80, s17, s7, $0xb8;
	[tilespmem:$0x19C00] =	vst v63  }
0x93: {  	s0 =	rddreg [dreg:$0xa]  }
0x94: {  	[tilespmem:s12], [sflag:$0x1] =	stream.indirect.gather [hbm4b:s4+s7], $0x80, s0, s7, $0xb8;
	[tilespmem:$0x19C00] =	vst v63  }
0x95: {  	_ = 	snop  }
0x96: {  	[tilespmem:s13], [sflag:$0x1] =	stream.indirect.gather [hbm4b:s4+s7], $0x80, s29, s7, $0xb8;
	[tilespmem:$0x19C00] =	vst v63  }
0x97: {  	_ = 	snop  }
0x98: {  	[tilespmem:s14], [sflag:$0x1] =	stream.indirect.gather [hbm4b:s4+s7], $0x80, s30, s7, $0xb8;
	[tilespmem:$0x19C00] =	vst v63  }
0x99: {  	_ = 	snop  }
0x9a: {  	[tilespmem:s15], [sflag:$0x1] =	stream.indirect.gather [hbm4b:s4+s7], $0x80, s31, s7, $0xb8;
	[tilespmem:$0x19C00] =	vst v63  }
0x9b: {  	_ = 	snop  }
0x9c: {  	[tilespmem:s16], [sflag:$0x1] =	stream.indirect.gather [hbm4b:s4+s7], $0x80, s18, s7, $0xb8;
	[tilespmem:$0x19C00] =	vst v63  }
0x9d: {  	_ =	swait.ge [sflag:s6], $0x2800  }
0x9e: {  	[sflag:s6] =	ssyncset.done $0x0  }
0x9f: {  	[sflag:s6] =	ssyncadd.s32 $0xFFFFD800  }
0xa0: {  	_ =	swait.ge [sflag:s6], $0x2800  }
0xa1: {  	[sflag:s6] =	ssyncset.done $0x0  }
0xa2: {  	[sflag:s6] =	ssyncadd.s32 $0xFFFFD800  }
0xa3: {  	_ =	swait.ge [sflag:s6], $0x2800  }
0xa4: {  	[sflag:s6] =	ssyncset.done $0x0  }
0xa5: {  	[sflag:s6] =	ssyncadd.s32 $0xFFFFD800  }
0xa6: {  	_ =	swait.ge [sflag:s6], $0x2800  }
0xa7: {  	[sflag:s6] =	ssyncset.done $0x0  }
0xa8: {  	[sflag:s6] =	ssyncadd.s32 $0xFFFFD800  }
0xa9: {  	_ =	swait.ge [sflag:s6], $0x2800  }
0xaa: {  	[sflag:s6] =	ssyncset.done $0x0  }
0xab: {  	[sflag:s6] =	ssyncadd.s32 $0xFFFFD800  }
0xac: {  	_ =	swait.ge [sflag:s6], $0x2800  }
0xad: {  	[sflag:s6] =	ssyncset.done $0x0  }
0xae: {  	[sflag:s6] =	ssyncadd.s32 $0xFFFFD800  }
0xaf: {  	_ =	swait.ge [sflag:s6], $0x2800  }
0xb0: {  	[sflag:s6] =	ssyncset.done $0x0  }
0xb1: {  	[sflag:s6] =	ssyncadd.s32 $0xFFFFD800  }
0xb2: {  	_ =	swait.ge [sflag:s6], $0x2800  }
0xb3: {  	[sflag:s6] =	ssyncset.done $0x0  }
0xb4: {  	[sflag:s6] =	ssyncadd.s32 $0xFFFFD800  }
0xb5: {  	_ =	swait.ge [sflag:s6], $0x2800  }
0xb6: {  	[sflag:s6] =	ssyncset.done $0x0  }
0xb7: {  	[sflag:s6] =	ssyncadd.s32 $0xFFFFD800  }
0xb8: {  	_ =	swait.ge [sflag:s6], $0x2800  }
0xb9: {  	[sflag:s6] =	ssyncset.done $0x0  }
0xba: {  	s17 =	rddreg [dreg:$0x4];
	[sflag:s6] =	ssyncadd.s32 $0xFFFFD800  }
0xbb: {  	[hbm4b:s17+s2] =	stream.linear.scatter [tilespmem:s5], [sflag:$0x2], $0x19000, $0x38;
	[tilespmem:$0x19C00] =	vst v63  }
0xbc: {  	_ =	swait.ge [sflag:s3], $0x19000  }
0xbd: {  	[sflag:s3] =	ssyncset.done $0x0  }
0xbe: {  	s17 =	simm.s32 $0x500;
	[sflag:s3] =	ssyncadd.s32 $0xFFFE7000  }
0xbf: {  	[tilespmem:s5], [sflag:$0x1] =	stream.indirect.gather [hbm4b:s4+s7], $0x80, s17, s7, $0xb8;
	[tilespmem:$0x19C00] =	vst v63  }
0xc0: {  	_ = 	snop  }
0xc1: {  	[tilespmem:s8], [sflag:$0x1] =	stream.indirect.gather [hbm4b:s4+s7], $0x80, s19, s7, $0xb8;
	[tilespmem:$0x19C00] =	vst v63  }
0xc2: {  	_ = 	snop  }
0xc3: {  	[tilespmem:s9], [sflag:$0x1] =	stream.indirect.gather [hbm4b:s4+s7], $0x80, s20, s7, $0xb8;
	[tilespmem:$0x19C00] =	vst v63  }
0xc4: {  	_ = 	snop  }
0xc5: {  	[tilespmem:s10], [sflag:$0x1] =	stream.indirect.gather [hbm4b:s4+s7], $0x80, s21, s7, $0xb8;
	[tilespmem:$0x19C00] =	vst v63  }
0xc6: {  	_ = 	snop  }
0xc7: {  	[tilespmem:s11], [sflag:$0x1] =	stream.indirect.gather [hbm4b:s4+s7], $0x80, s22, s7, $0xb8;
	[tilespmem:$0x19C00] =	vst v63  }
0xc8: {  	_ = 	snop  }
0xc9: {  	[tilespmem:s12], [sflag:$0x1] =	stream.indirect.gather [hbm4b:s4+s7], $0x80, s23, s7, $0xb8;
	[tilespmem:$0x19C00] =	vst v63  }
0xca: {  	_ = 	snop  }
0xcb: {  	[tilespmem:s13], [sflag:$0x1] =	stream.indirect.gather [hbm4b:s4+s7], $0x80, s24, s7, $0xb8;
	[tilespmem:$0x19C00] =	vst v63  }
0xcc: {  	_ = 	snop  }
0xcd: {  	[tilespmem:s14], [sflag:$0x1] =	stream.indirect.gather [hbm4b:s4+s7], $0x80, s25, s7, $0xb8;
	[tilespmem:$0x19C00] =	vst v63  }
0xce: {  	_ = 	snop  }
0xcf: {  	[tilespmem:s15], [sflag:$0x1] =	stream.indirect.gather [hbm4b:s4+s7], $0x80, s26, s7, $0xb8;
	[tilespmem:$0x19C00] =	vst v63  }
0xd0: {  	_ = 	snop  }
0xd1: {  	[tilespmem:s16], [sflag:$0x1] =	stream.indirect.gather [hbm4b:s4+s7], $0x80, s28, s7, $0xb8;
	[tilespmem:$0x19C00] =	vst v63  }
0xd2: {  	_ =	swait.ge [sflag:s6], $0x2800  }
0xd3: {  	[sflag:s6] =	ssyncset.done $0x0  }
0xd4: {  	[sflag:s6] =	ssyncadd.s32 $0xFFFFD800  }
0xd5: {  	_ =	swait.ge [sflag:s6], $0x2800  }
0xd6: {  	[sflag:s6] =	ssyncset.done $0x0  }
0xd7: {  	[sflag:s6] =	ssyncadd.s32 $0xFFFFD800  }
0xd8: {  	_ =	swait.ge [sflag:s6], $0x2800  }
0xd9: {  	[sflag:s6] =	ssyncset.done $0x0  }
0xda: {  	[sflag:s6] =	ssyncadd.s32 $0xFFFFD800  }
0xdb: {  	_ =	swait.ge [sflag:s6], $0x2800  }
0xdc: {  	[sflag:s6] =	ssyncset.done $0x0  }
0xdd: {  	[sflag:s6] =	ssyncadd.s32 $0xFFFFD800  }
0xde: {  	_ =	swait.ge [sflag:s6], $0x2800  }
0xdf: {  	[sflag:s6] =	ssyncset.done $0x0  }
0xe0: {  	[sflag:s6] =	ssyncadd.s32 $0xFFFFD800  }
0xe1: {  	_ =	swait.ge [sflag:s6], $0x2800  }
0xe2: {  	[sflag:s6] =	ssyncset.done $0x0  }
0xe3: {  	[sflag:s6] =	ssyncadd.s32 $0xFFFFD800  }
0xe4: {  	_ =	swait.ge [sflag:s6], $0x2800  }
0xe5: {  	[sflag:s6] =	ssyncset.done $0x0  }
0xe6: {  	[sflag:s6] =	ssyncadd.s32 $0xFFFFD800  }
0xe7: {  	_ =	swait.ge [sflag:s6], $0x2800  }
0xe8: {  	[sflag:s6] =	ssyncset.done $0x0  }
0xe9: {  	[sflag:s6] =	ssyncadd.s32 $0xFFFFD800  }
0xea: {  	_ =	swait.ge [sflag:s6], $0x2800  }
0xeb: {  	[sflag:s6] =	ssyncset.done $0x0  }
0xec: {  	[sflag:s6] =	ssyncadd.s32 $0xFFFFD800  }
0xed: {  	p1 =	sne.s32 s1, $0x1;
	_ =	swait.ge [sflag:s6], $0x2800  }
.Ltmp2:
0xee: {  	[sflag:s6] =	ssyncset.done $0x0;
	(pc) =	sbr.rel @p1 .LBB2_4-.Ltmp2, $4  }
0xef: {  	s17 =	rddreg [dreg:$0x5];
	[sflag:s6] =	ssyncadd.s32 $0xFFFFD800  }
0xf0: {  	[hbm4b:s17+s2] =	stream.linear.scatter [tilespmem:s5], [sflag:$0x2], $0x19000, $0x38;
	[tilespmem:$0x19C00] =	vst v63  }
0xf1: {  	_ =	swait.ge [sflag:s3], $0x19000  }
0xf2: {  	s1 =	sadd.s32 $0xFFFFFFFF, s1;
	s0 =	rddreg [dreg:$0x3];
	[sflag:s3] =	ssyncset.done $0x0  }
0xf3: {  	s28 =	simm.s32 $0x480;
	s31 =	simm.s32 $0x400  }
0xf4: {  	s30 =	simm.s32 $0x380;
	s29 =	simm.s32 $0x300;
	s26 =	simm.s32 $0x900  }
0xf5: {  	s25 =	simm.s32 $0x880;
	s24 =	simm.s32 $0x800;
	s23 =	simm.s32 $0x780  }
0xf6: {  	s22 =	simm.s32 $0x700;
	s21 =	simm.s32 $0x680;
	s20 =	simm.s32 $0x600  }
0xf7: {  	s19 =	simm.s32 $0x580;
	s18 =	simm.s32 $0x500;
	s17 =	stileid.u32  }
.LBB2_6:
0xf8: {  	[sflag:s3] =	ssyncadd.s32 @p0 $0xFFFE7000  }
0xf9: {  	[tilespmem:s2], [sflag:$0x2] =	stream.linear.gather [hbm4b:s0+s2], $0xA00, $0x38;
	[tilespmem:$0x19C00] =	vst v63  }
0xfa: {  	_ =	swait.ge [sflag:s3], $0xA00  }
0xfb: {  	[sflag:s3] =	ssyncset.done $0x0  }
0xfc: {  	[sflag:s3] =	ssyncadd.s32 $0xFFFFF600  }
0xfd: {  	[tilespmem:s5], [sflag:$0x1] =	stream.indirect.gather [hbm4b:s4+s7], $0x80, s2, s7, $0xb8;
	[tilespmem:$0x19C00] =	vst v63  }
0xfe: {  	s0 =	rddreg [dreg:$0x6]  }
0xff: {  	[tilespmem:s8], [sflag:$0x1] =	stream.indirect.gather [hbm4b:s4+s7], $0x80, s0, s7, $0xb8;
	[tilespmem:$0x19C00] =	vst v63  }
0x100: {  	s1 =	rddreg [dreg:$0x7]  }
0x101: {  	[tilespmem:s9], [sflag:$0x1] =	stream.indirect.gather [hbm4b:s4+s7], $0x80, s1, s7, $0xb8;
	[tilespmem:$0x19C00] =	vst v63  }
0x102: {  	s0 =	rddreg [dreg:$0x8]  }
0x103: {  	[tilespmem:s10], [sflag:$0x1] =	stream.indirect.gather [hbm4b:s4+s7], $0x80, s0, s7, $0xb8;
	[tilespmem:$0x19C00] =	vst v63  }
0x104: {  	s1 =	rddreg [dreg:$0x9]  }
0x105: {  	[tilespmem:s11], [sflag:$0x1] =	stream.indirect.gather [hbm4b:s4+s7], $0x80, s1, s7, $0xb8;
	[tilespmem:$0x19C00] =	vst v63  }
0x106: {  	s0 =	rddreg [dreg:$0xa]  }
0x107: {  	[tilespmem:s12], [sflag:$0x1] =	stream.indirect.gather [hbm4b:s4+s7], $0x80, s0, s7, $0xb8;
	[tilespmem:$0x19C00] =	vst v63  }
0x108: {  	_ = 	snop  }
0x109: {  	[tilespmem:s13], [sflag:$0x1] =	stream.indirect.gather [hbm4b:s4+s7], $0x80, s29, s7, $0xb8;
	[tilespmem:$0x19C00] =	vst v63  }
0x10a: {  	_ = 	snop  }
0x10b: {  	[tilespmem:s14], [sflag:$0x1] =	stream.indirect.gather [hbm4b:s4+s7], $0x80, s30, s7, $0xb8;
	[tilespmem:$0x19C00] =	vst v63  }
0x10c: {  	_ = 	snop  }
0x10d: {  	[tilespmem:s15], [sflag:$0x1] =	stream.indirect.gather [hbm4b:s4+s7], $0x80, s31, s7, $0xb8;
	[tilespmem:$0x19C00] =	vst v63  }
0x10e: {  	_ = 	snop  }
0x10f: {  	[tilespmem:s16], [sflag:$0x1] =	stream.indirect.gather [hbm4b:s4+s7], $0x80, s28, s7, $0xb8;
	[tilespmem:$0x19C00] =	vst v63  }
0x110: {  	_ =	swait.ge [sflag:s6], $0x2800  }
0x111: {  	[sflag:s6] =	ssyncset.done $0x0  }
0x112: {  	[sflag:s6] =	ssyncadd.s32 $0xFFFFD800  }
0x113: {  	_ =	swait.ge [sflag:s6], $0x2800  }
0x114: {  	[sflag:s6] =	ssyncset.done $0x0  }
0x115: {  	[sflag:s6] =	ssyncadd.s32 $0xFFFFD800  }
0x116: {  	_ =	swait.ge [sflag:s6], $0x2800  }
0x117: {  	[sflag:s6] =	ssyncset.done $0x0  }
0x118: {  	[sflag:s6] =	ssyncadd.s32 $0xFFFFD800  }
0x119: {  	_ =	swait.ge [sflag:s6], $0x2800  }
0x11a: {  	[sflag:s6] =	ssyncset.done $0x0  }
0x11b: {  	[sflag:s6] =	ssyncadd.s32 $0xFFFFD800  }
0x11c: {  	_ =	swait.ge [sflag:s6], $0x2800  }
0x11d: {  	[sflag:s6] =	ssyncset.done $0x0  }
0x11e: {  	[sflag:s6] =	ssyncadd.s32 $0xFFFFD800  }
0x11f: {  	_ =	swait.ge [sflag:s6], $0x2800  }
0x120: {  	[sflag:s6] =	ssyncset.done $0x0  }
0x121: {  	[sflag:s6] =	ssyncadd.s32 $0xFFFFD800  }
0x122: {  	_ =	swait.ge [sflag:s6], $0x2800  }
0x123: {  	[sflag:s6] =	ssyncset.done $0x0  }
0x124: {  	[sflag:s6] =	ssyncadd.s32 $0xFFFFD800  }
0x125: {  	_ =	swait.ge [sflag:s6], $0x2800  }
0x126: {  	[sflag:s6] =	ssyncset.done $0x0  }
0x127: {  	[sflag:s6] =	ssyncadd.s32 $0xFFFFD800  }
0x128: {  	_ =	swait.ge [sflag:s6], $0x2800  }
0x129: {  	[sflag:s6] =	ssyncset.done $0x0  }
0x12a: {  	[sflag:s6] =	ssyncadd.s32 $0xFFFFD800  }
0x12b: {  	_ =	swait.ge [sflag:s6], $0x2800  }
0x12c: {  	[sflag:s6] =	ssyncset.done $0x0  }
0x12d: {  	s29 =	rddreg [dreg:$0x4];
	[sflag:s6] =	ssyncadd.s32 $0xFFFFD800  }
0x12e: {  	[hbm4b:s29+s2] =	stream.linear.scatter [tilespmem:s5], [sflag:$0x2], $0x19000, $0x38;
	[tilespmem:$0x19C00] =	vst v63  }
0x12f: {  	_ =	swait.ge [sflag:s3], $0x19000  }
0x130: {  	[sflag:s3] =	ssyncset.done $0x0  }
0x131: {  	[sflag:s3] =	ssyncadd.s32 $0xFFFE7000  }
0x132: {  	[tilespmem:s5], [sflag:$0x1] =	stream.indirect.gather [hbm4b:s4+s7], $0x80, s18, s7, $0xb8;
	[tilespmem:$0x19C00] =	vst v63  }
0x133: {  	_ = 	snop  }
0x134: {  	[tilespmem:s8], [sflag:$0x1] =	stream.indirect.gather [hbm4b:s4+s7], $0x80, s19, s7, $0xb8;
	[tilespmem:$0x19C00] =	vst v63  }
0x135: {  	_ = 	snop  }
0x136: {  	[tilespmem:s9], [sflag:$0x1] =	stream.indirect.gather [hbm4b:s4+s7], $0x80, s20, s7, $0xb8;
	[tilespmem:$0x19C00] =	vst v63  }
0x137: {  	_ = 	snop  }
0x138: {  	[tilespmem:s10], [sflag:$0x1] =	stream.indirect.gather [hbm4b:s4+s7], $0x80, s21, s7, $0xb8;
	[tilespmem:$0x19C00] =	vst v63  }
0x139: {  	_ = 	snop  }
0x13a: {  	[tilespmem:s11], [sflag:$0x1] =	stream.indirect.gather [hbm4b:s4+s7], $0x80, s22, s7, $0xb8;
	[tilespmem:$0x19C00] =	vst v63  }
0x13b: {  	_ = 	snop  }
0x13c: {  	[tilespmem:s12], [sflag:$0x1] =	stream.indirect.gather [hbm4b:s4+s7], $0x80, s23, s7, $0xb8;
	[tilespmem:$0x19C00] =	vst v63  }
0x13d: {  	_ = 	snop  }
0x13e: {  	[tilespmem:s13], [sflag:$0x1] =	stream.indirect.gather [hbm4b:s4+s7], $0x80, s24, s7, $0xb8;
	[tilespmem:$0x19C00] =	vst v63  }
0x13f: {  	_ = 	snop  }
0x140: {  	[tilespmem:s14], [sflag:$0x1] =	stream.indirect.gather [hbm4b:s4+s7], $0x80, s25, s7, $0xb8;
	[tilespmem:$0x19C00] =	vst v63  }
0x141: {  	_ = 	snop  }
0x142: {  	[tilespmem:s15], [sflag:$0x1] =	stream.indirect.gather [hbm4b:s4+s7], $0x80, s26, s7, $0xb8;
	[tilespmem:$0x19C00] =	vst v63  }
0x143: {  	s30 =	simm.s32 $0x980  }
0x144: {  	[tilespmem:s16], [sflag:$0x1] =	stream.indirect.gather [hbm4b:s4+s7], $0x80, s30, s7, $0xb8;
	[tilespmem:$0x19C00] =	vst v63  }
0x145: {  	_ =	swait.ge [sflag:s6], $0x2800  }
0x146: {  	[sflag:s6] =	ssyncset.done $0x0  }
0x147: {  	[sflag:s6] =	ssyncadd.s32 $0xFFFFD800  }
0x148: {  	_ =	swait.ge [sflag:s6], $0x2800  }
0x149: {  	[sflag:s6] =	ssyncset.done $0x0  }
0x14a: {  	[sflag:s6] =	ssyncadd.s32 $0xFFFFD800  }
0x14b: {  	_ =	swait.ge [sflag:s6], $0x2800  }
0x14c: {  	[sflag:s6] =	ssyncset.done $0x0  }
0x14d: {  	[sflag:s6] =	ssyncadd.s32 $0xFFFFD800  }
0x14e: {  	_ =	swait.ge [sflag:s6], $0x2800  }
0x14f: {  	[sflag:s6] =	ssyncset.done $0x0  }
0x150: {  	[sflag:s6] =	ssyncadd.s32 $0xFFFFD800  }
0x151: {  	_ =	swait.ge [sflag:s6], $0x2800  }
0x152: {  	[sflag:s6] =	ssyncset.done $0x0  }
0x153: {  	[sflag:s6] =	ssyncadd.s32 $0xFFFFD800  }
0x154: {  	_ =	swait.ge [sflag:s6], $0x2800  }
0x155: {  	[sflag:s6] =	ssyncset.done $0x0  }
0x156: {  	[sflag:s6] =	ssyncadd.s32 $0xFFFFD800  }
0x157: {  	_ =	swait.ge [sflag:s6], $0x2800  }
0x158: {  	[sflag:s6] =	ssyncset.done $0x0  }
0x159: {  	[sflag:s6] =	ssyncadd.s32 $0xFFFFD800  }
0x15a: {  	_ =	swait.ge [sflag:s6], $0x2800  }
0x15b: {  	[sflag:s6] =	ssyncset.done $0x0  }
0x15c: {  	[sflag:s6] =	ssyncadd.s32 $0xFFFFD800  }
0x15d: {  	_ =	swait.ge [sflag:s6], $0x2800  }
0x15e: {  	[sflag:s6] =	ssyncset.done $0x0  }
0x15f: {  	[sflag:s6] =	ssyncadd.s32 $0xFFFFD800  }
0x160: {  	_ =	swait.ge [sflag:s6], $0x2800  }
0x161: {  	[sflag:s6] =	ssyncset.done $0x0  }
0x162: {  	s31 =	rddreg [dreg:$0x5];
	[sflag:s6] =	ssyncadd.s32 $0xFFFFD800  }
0x163: {  	[hbm4b:s31+s2] =	stream.linear.scatter [tilespmem:s5], [sflag:$0x2], $0x19000, $0x38;
	[tilespmem:$0x19C00] =	vst v63  }
0x164: {  	_ =	swait.ge [sflag:s3], $0x19000  }
0x165: {  	[sflag:s3] =	ssyncset.done $0x0  }
0x166: {  	[sflag:s3] =	ssyncadd.s32 $0xFFFE7000  }
0x167: {  	_ =	sfence.sel $0x180000  }
0x168: {  	[bflag:$0x0] =	sbarrier.arrive $0xFFFF  }
0x169: {  	_ =	strace $0x90000047  }
0x16a: {  	[bflag:$0x2] =	sbarrier.arrive $0xFFFF  }
0x16b: {  	p0 =	sne.s32 s17, $0x0;
	s0 =	rddreg [dreg:$0x2]  }
0x16c: {  	s0 =	sadd.s32 @!p0 $0x100000, s0  }
0x16d: {  	[sflag:s0] =	ssyncadd.tile.s32 @!p0 $0x1;
	_ =	shalt  }
.LBB2_1:
.Ltmp3:
0x16e: {  	s28 =	simm.s32 $0x480;
	(pc) =	sbr.rel .LBB2_6-.Ltmp3, $4  }
0x16f: {  	s31 =	simm.s32 $0x400;
	s30 =	simm.s32 $0x380;
	s29 =	simm.s32 $0x300  }
0x170: {  	s26 =	simm.s32 $0x900;
	s25 =	simm.s32 $0x880;
	s24 =	simm.s32 $0x800  }
0x171: {  	s23 =	simm.s32 $0x780;
	s22 =	simm.s32 $0x700;
	s21 =	simm.s32 $0x680  }
0x172: {  	s20 =	simm.s32 $0x600;
	s19 =	simm.s32 $0x580;
	s18 =	simm.s32 $0x500  }
.LBB2_3:
.Ltmp4:
0x173: {  	s28 =	simm.s32 $0x480;
	s31 =	simm.s32 $0x400;
	(pc) =	sbr.rel .LBB2_6-.Ltmp4, $4  }
0x174: {  	s30 =	simm.s32 $0x380;
	s29 =	simm.s32 $0x300;
	s26 =	simm.s32 $0x900  }
0x175: {  	s25 =	simm.s32 $0x880;
	s24 =	simm.s32 $0x800;
	s23 =	simm.s32 $0x780  }
0x176: {  	s22 =	simm.s32 $0x700;
	s21 =	simm.s32 $0x680;
	s20 =	simm.s32 $0x600  }
0x177: {  	s19 =	simm.s32 $0x580;
	s18 =	simm.s32 $0x500;
	s17 =	stileid.u32  }
.Lfunc_end2:
_tile_overlayer_lowered:
.L_overlay_start_2:
0x178: {  	(tag) =	ssettag $0x2  }
0x179: {  	s0 =	rddreg [dreg:$0x0];
	s2 =	stileid.u32  }
0x17a: {  	s1 =	rddreg [dreg:$0x1];
	p0 =	sne.s32 s2, $0x0  }
0x17b: {  	s3 =	rddreg [dreg:$0x2];
	[bflag:$0x3] =	sbarrier.arrive $0xFFFF;
	s2 =	simm.s32 @!p0 $0x1C02  }
0x17c: {  	[timem:s3], [sflag:s2] =	dma.local @!p0 [hbm:s0], s1  }
0x17d: {  	s0 =	simm.s32 @!p0 $0x2  }
0x17e: {  	_ =	swait.ge @!p0 [sflag:s0], s1  }
0x17f: {  	s1 =	ssub.s32 @!p0 $0x0, s1;
	[sflag:s0] =	ssyncset.done @!p0 $0x0  }
0x180: {  	[sflag:s0] =	ssyncadd.s32 @!p0 s1  }
0x181: {  	[bflag:$0x3] =	sbarrier.arrive $0xFFFF  }
0x182: {  	_ =	shalt  }

</sc_bundles>
